<compile_context>
chip_gen: v7x
topology: tpu7x:2x2x1
jax: 0.10.2.dev20260603
libtpu: 0.0.44.dev20260713+nightly
codegen_flags: <defaults>
</compile_context>

<pallas_src>
import functools

import jax
import jax.numpy as jnp
from jax import lax
from jax.experimental import pallas as pl
from jax.experimental.pallas import tpu as pltpu
from jax.experimental.pallas import tpu_sc as plsc

VOCAB = 1000000
DIM = 64
PAD_DIM = 128
BATCH = 4096
TOKENS = 200

_INFO = plsc.get_sparse_core_info()
_NC, _NS = _INFO.num_cores, _INFO.num_subcores
_NW = _NC * _NS
_TOTAL = BATCH * TOKENS
_GROUP = 128
_GROUPS_PER_W = _TOTAL // (_NW * _GROUP)
_NBUF = 4
_BLOCKS = _GROUPS_PER_W // _NBUF


def _body(idx_hbm, table_hbm, out_hbm, idx_v, rows_v, gsems, ssems):
    wid = lax.axis_index("s") * _NC + lax.axis_index("c")
    row0 = wid * _GROUPS_PER_W
    pltpu.sync_copy(idx_hbm.at[pl.ds(row0, _GROUPS_PER_W)], idx_v)

    def buf(b):
        return rows_v.at[pl.ds(b * _GROUP, _GROUP)]

    def buf_data(b):
        return rows_v.at[pl.ds(b * _GROUP, _GROUP), pl.ds(0, DIM)]

    def fire_gather(t, b):
        pltpu.async_copy(table_hbm.at[idx_v.at[t]], buf(b), gsems[b])

    def wait_gather(b):
        pltpu.make_async_copy(table_hbm.at[idx_v.at[0]], buf(b), gsems[b]).wait()

    def fire_store(t, b):
        pltpu.async_copy(buf_data(b),
                         out_hbm.at[pl.ds((row0 + t) * _GROUP, _GROUP),
                                    pl.ds(0, DIM)],
                         ssems[b])

    def wait_store(b):
        pltpu.make_async_copy(
            buf_data(b),
            out_hbm.at[pl.ds(row0 * _GROUP, _GROUP), pl.ds(0, DIM)],
            ssems[b]).wait()

    for b in range(_NBUF):
        fire_gather(b, b)

    def block(gi, carry):
        g = gi * _NBUF
        for b in range(_NBUF):
            t = g + b
            wait_gather(b)
            fire_store(t, b)
            wait_store(b)
            fire_gather(t + _NBUF, b)
        return carry

    lax.fori_loop(0, _BLOCKS - 1, block, 0)
    g = (_BLOCKS - 1) * _NBUF
    for b in range(_NBUF):
        wait_gather(b)
        fire_store(g + b, b)
    for b in range(_NBUF):
        wait_store(b)


@functools.partial(
    pl.kernel,
    mesh=plsc.VectorSubcoreMesh(core_axis_name="c", subcore_axis_name="s"),
    out_type=jax.ShapeDtypeStruct((_TOTAL, PAD_DIM), jnp.float32),
    scratch_types=[
        pltpu.VMEM((_GROUPS_PER_W, _GROUP), jnp.int32),
        pltpu.VMEM((_NBUF * _GROUP, PAD_DIM), jnp.float32),
        [pltpu.SemaphoreType.DMA] * _NBUF,
        [pltpu.SemaphoreType.DMA] * _NBUF,
    ],
    compiler_params=pltpu.CompilerParams(use_tc_tiling_on_sc=False),
)
def _gather_kernel(idx_hbm, table_hbm, out_hbm, idx_v, rows_v, gsems, ssems):
    _body(idx_hbm, table_hbm, out_hbm, idx_v, rows_v, gsems, ssems)


def kernel(inputs, embed_weight):
    idx = inputs.astype(jnp.int32).reshape(_TOTAL // _GROUP, _GROUP)
    table = jnp.pad(embed_weight, ((0, 0), (0, PAD_DIM - DIM)))
    out = _gather_kernel(idx, table)
    return out[:, :DIM].reshape(BATCH, TOKENS, DIM)

# --- scband reference (transcript-rebuilt; emitter-appended) ---
"""Pipeline reference for scband-word-feature-10273561772467 (READ-ONLY COPY).

The authoritative reference and input builder live on the scoring server;
editing this copy changes nothing except your own understanding.
"""

import jax, jax.numpy as jnp
import numpy as np

VOCAB_SIZE = 1000000
WORD_DIM = 64
BATCH = 4096
N_TOKENS = 200


def setup_inputs(seed: int = 0) -> dict:
    key = jax.random.key(seed)
    k_idx, k_tab = jax.random.split(key)
    inputs = jax.random.randint(k_idx, (BATCH, N_TOKENS), 0, VOCAB_SIZE, dtype=jnp.int64 if jax.config.jax_enable_x64 else jnp.int32)
    # embedding table (init_embedding in the original code initializes the weight;
    # we use a seeded normal init which is faithful in structure)
    embed_weight = jax.random.normal(k_tab, (VOCAB_SIZE, WORD_DIM), dtype=jnp.float32) * 0.02
    return {"inputs": inputs, "embed_weight": embed_weight}


def reference(inputs, embed_weight):
    # nn.Embedding: gather rows of the table by index
    return jnp.take(embed_weight, inputs, axis=0)

if __name__ == "__main__":
    import jax
    _d = setup_inputs()
    print(jax.jit(kernel)(*tuple(_d.values())))

</pallas_src>

<mosaic_0001>
#map = affine_map<(d0, d1) -> (0, 0)>
module attributes {stable_mosaic.version = 14 : i64} {
  func.func @_gather_kernel(%arg0: i32, %arg1: i32, %arg2: memref<6400x128xi32, #tpu.memory_space<hbm>>, %arg3: memref<1000000x128xf32, #tpu.memory_space<hbm>>, %arg4: memref<819200x128xf32, #tpu.memory_space<hbm>>, %arg5: memref<200x128xi32, #tpu.memory_space<vmem>>, %arg6: memref<512x128xf32, #tpu.memory_space<vmem>>, %arg7: memref<!tpu.dma_semaphore, #tpu.memory_space<semaphore_mem>>, %arg8: memref<!tpu.dma_semaphore, #tpu.memory_space<semaphore_mem>>, %arg9: memref<!tpu.dma_semaphore, #tpu.memory_space<semaphore_mem>>, %arg10: memref<!tpu.dma_semaphore, #tpu.memory_space<semaphore_mem>>, %arg11: memref<!tpu.dma_semaphore, #tpu.memory_space<semaphore_mem>>, %arg12: memref<!tpu.dma_semaphore, #tpu.memory_space<semaphore_mem>>, %arg13: memref<!tpu.dma_semaphore, #tpu.memory_space<semaphore_mem>>, %arg14: memref<!tpu.dma_semaphore, #tpu.memory_space<semaphore_mem>>) attributes {dimension_semantics = [#tpu.dimension_semantics<core_parallel>, #tpu.dimension_semantics<subcore_parallel>], iteration_bounds = array<i64: 2, 16>, scalar_prefetch = 0 : i64, scratch_operands = 10 : i64, tpu.core_type = #tpu.core_type<sc_vector_subcore>, window_params = [{transform_indices = #map}, {transform_indices = #map}, {transform_indices = #map}]} {
    %mul3A = arith.constant 2 : i32
    %mul3A_0 = arith.muli %arg1, %mul3A : i32
    %add3A = arith.addi %mul3A_0, %arg0 : i32
    %mul3A_1 = arith.constant 200 : i32
    %mul3A_2 = arith.muli %add3A, %mul3A_1 : i32
    "tpu.region"() ({
      %run_scoped3A = tpu.sem_alloc : memref<!tpu.dma_semaphore, #tpu.memory_space<semaphore_mem>>
      %dma_start3A_190 = arith.constant 0 : i32
      %dma_start3A_191 = tpu.memref_slice %arg2[%mul3A_2, %dma_start3A_190] : memref<6400x128xi32, #tpu.memory_space<hbm>> -> memref<200x128xi32, #tpu.memory_space<hbm>>
      %dma_start3A_192 = arith.constant 0 : i32
      %dma_start3A_193 = tpu.memref_slice %arg2[%mul3A_2, %dma_start3A_192] : memref<6400x128xi32, #tpu.memory_space<hbm>> -> memref<200x128xi32, #tpu.memory_space<hbm>>
      tpu.enqueue_dma source(%dma_start3A_193 : memref<200x128xi32, #tpu.memory_space<hbm>>) target(%arg5 : memref<200x128xi32, #tpu.memory_space<vmem>>) target_semaphore(%run_scoped3A : memref<!tpu.dma_semaphore, #tpu.memory_space<semaphore_mem>>)
      %dma_wait3A_194 = arith.constant 0 : i32
      %dma_wait3A_195 = tpu.memref_slice %arg2[%mul3A_2, %dma_wait3A_194] : memref<6400x128xi32, #tpu.memory_space<hbm>> -> memref<200x128xi32, #tpu.memory_space<hbm>>
      %dma_wait3A_196 = arith.constant 0 : i32
      %dma_wait3A_197 = tpu.memref_slice %arg2[%mul3A_2, %dma_wait3A_196] : memref<6400x128xi32, #tpu.memory_space<hbm>> -> memref<200x128xi32, #tpu.memory_space<hbm>>
      tpu.wait_dma2 semaphore(%run_scoped3A : memref<!tpu.dma_semaphore, #tpu.memory_space<semaphore_mem>>) src(%dma_wait3A_197 : memref<200x128xi32, #tpu.memory_space<hbm>>) dst(%arg5 : memref<200x128xi32, #tpu.memory_space<vmem>>)
      tpu.yield
    }) : () -> ()
    %dma_start3A = arith.constant 0 : i32
    %dma_start3A_3 = arith.constant 0 : i32
    %dma_start3A_4 = arith.constant 0 : i32
    %dma_start3A_5 = tpu.memref_slice %arg6[%dma_start3A_3, %dma_start3A_4] : memref<512x128xf32, #tpu.memory_space<vmem>> -> memref<128x128xf32, #tpu.memory_space<vmem>>
    %dma_start3A_6 = arith.constant 0 : i32
    %dma_start3A_7 = tpu.memref_slice %arg5[%dma_start3A, %dma_start3A_6] : memref<200x128xi32, #tpu.memory_space<vmem>> -> memref<1x128xi32, #tpu.memory_space<vmem>>
    %dma_start3A_8 = tpu.memref_squeeze %dma_start3A_7 : memref<1x128xi32, #tpu.memory_space<vmem>> -> memref<128xi32, #tpu.memory_space<vmem>>
    %dma_start3A_9 = arith.constant 0 : i32
    %dma_start3A_10 = arith.constant 0 : i32
    %dma_start3A_11 = tpu.memref_slice %arg3[%dma_start3A_9, %dma_start3A_10] : memref<1000000x128xf32, #tpu.memory_space<hbm>> -> memref<1000000x128xf32, #tpu.memory_space<hbm>>
    tpu.enqueue_indirect_dma source(%dma_start3A_11 : memref<1000000x128xf32, #tpu.memory_space<hbm>>) target(%dma_start3A_5 : memref<128x128xf32, #tpu.memory_space<vmem>>) offsets(%dma_start3A_8 : memref<128xi32, #tpu.memory_space<vmem>>) semaphore(%arg7 : memref<!tpu.dma_semaphore, #tpu.memory_space<semaphore_mem>>)
    %dma_start3A_12 = arith.constant 1 : i32
    %dma_start3A_13 = arith.constant 128 : i32
    %dma_start3A_14 = arith.constant 0 : i32
    %dma_start3A_15 = tpu.memref_slice %arg6[%dma_start3A_13, %dma_start3A_14] : memref<512x128xf32, #tpu.memory_space<vmem>> -> memref<128x128xf32, #tpu.memory_space<vmem>>
    %dma_start3A_16 = arith.constant 0 : i32
    %dma_start3A_17 = tpu.memref_slice %arg5[%dma_start3A_12, %dma_start3A_16] : memref<200x128xi32, #tpu.memory_space<vmem>> -> memref<1x128xi32, #tpu.memory_space<vmem>>
    %dma_start3A_18 = tpu.memref_squeeze %dma_start3A_17 : memref<1x128xi32, #tpu.memory_space<vmem>> -> memref<128xi32, #tpu.memory_space<vmem>>
    %dma_start3A_19 = arith.constant 0 : i32
    %dma_start3A_20 = arith.constant 0 : i32
    %dma_start3A_21 = tpu.memref_slice %arg3[%dma_start3A_19, %dma_start3A_20] : memref<1000000x128xf32, #tpu.memory_space<hbm>> -> memref<1000000x128xf32, #tpu.memory_space<hbm>>
    tpu.enqueue_indirect_dma source(%dma_start3A_21 : memref<1000000x128xf32, #tpu.memory_space<hbm>>) target(%dma_start3A_15 : memref<128x128xf32, #tpu.memory_space<vmem>>) offsets(%dma_start3A_18 : memref<128xi32, #tpu.memory_space<vmem>>) semaphore(%arg8 : memref<!tpu.dma_semaphore, #tpu.memory_space<semaphore_mem>>)
    %dma_start3A_22 = arith.constant 2 : i32
    %dma_start3A_23 = arith.constant 256 : i32
    %dma_start3A_24 = arith.constant 0 : i32
    %dma_start3A_25 = tpu.memref_slice %arg6[%dma_start3A_23, %dma_start3A_24] : memref<512x128xf32, #tpu.memory_space<vmem>> -> memref<128x128xf32, #tpu.memory_space<vmem>>
    %dma_start3A_26 = arith.constant 0 : i32
    %dma_start3A_27 = tpu.memref_slice %arg5[%dma_start3A_22, %dma_start3A_26] : memref<200x128xi32, #tpu.memory_space<vmem>> -> memref<1x128xi32, #tpu.memory_space<vmem>>
    %dma_start3A_28 = tpu.memref_squeeze %dma_start3A_27 : memref<1x128xi32, #tpu.memory_space<vmem>> -> memref<128xi32, #tpu.memory_space<vmem>>
    %dma_start3A_29 = arith.constant 0 : i32
    %dma_start3A_30 = arith.constant 0 : i32
    %dma_start3A_31 = tpu.memref_slice %arg3[%dma_start3A_29, %dma_start3A_30] : memref<1000000x128xf32, #tpu.memory_space<hbm>> -> memref<1000000x128xf32, #tpu.memory_space<hbm>>
    tpu.enqueue_indirect_dma source(%dma_start3A_31 : memref<1000000x128xf32, #tpu.memory_space<hbm>>) target(%dma_start3A_25 : memref<128x128xf32, #tpu.memory_space<vmem>>) offsets(%dma_start3A_28 : memref<128xi32, #tpu.memory_space<vmem>>) semaphore(%arg9 : memref<!tpu.dma_semaphore, #tpu.memory_space<semaphore_mem>>)
    %dma_start3A_32 = arith.constant 3 : i32
    %dma_start3A_33 = arith.constant 384 : i32
    %dma_start3A_34 = arith.constant 0 : i32
    %dma_start3A_35 = tpu.memref_slice %arg6[%dma_start3A_33, %dma_start3A_34] : memref<512x128xf32, #tpu.memory_space<vmem>> -> memref<128x128xf32, #tpu.memory_space<vmem>>
    %dma_start3A_36 = arith.constant 0 : i32
    %dma_start3A_37 = tpu.memref_slice %arg5[%dma_start3A_32, %dma_start3A_36] : memref<200x128xi32, #tpu.memory_space<vmem>> -> memref<1x128xi32, #tpu.memory_space<vmem>>
    %dma_start3A_38 = tpu.memref_squeeze %dma_start3A_37 : memref<1x128xi32, #tpu.memory_space<vmem>> -> memref<128xi32, #tpu.memory_space<vmem>>
    %dma_start3A_39 = arith.constant 0 : i32
    %dma_start3A_40 = arith.constant 0 : i32
    %dma_start3A_41 = tpu.memref_slice %arg3[%dma_start3A_39, %dma_start3A_40] : memref<1000000x128xf32, #tpu.memory_space<hbm>> -> memref<1000000x128xf32, #tpu.memory_space<hbm>>
    tpu.enqueue_indirect_dma source(%dma_start3A_41 : memref<1000000x128xf32, #tpu.memory_space<hbm>>) target(%dma_start3A_35 : memref<128x128xf32, #tpu.memory_space<vmem>>) offsets(%dma_start3A_38 : memref<128xi32, #tpu.memory_space<vmem>>) semaphore(%arg10 : memref<!tpu.dma_semaphore, #tpu.memory_space<semaphore_mem>>)
    %scan3A = arith.constant 0 : i32
    %scan3A_42 = arith.constant 0 : i32
    %scan3A_43 = arith.constant 49 : i32
    %scan3A_44 = arith.addi %scan3A_42, %scan3A_43 : i32
    %scan3A_45 = arith.constant 1 : i32
    scf.for %scan3A_190 = %scan3A_42 to %scan3A_44 step %scan3A_45  : i32 {
      %mul3A_191 = arith.constant 4 : i32
      %mul3A_192 = arith.muli %scan3A_190, %mul3A_191 : i32
      %add3A_193 = arith.constant 0 : i32
      %add3A_194 = arith.addi %mul3A_192, %add3A_193 : i32
      %dma_wait3A_195 = arith.constant 0 : i32
      %dma_wait3A_196 = arith.constant 0 : i32
      %dma_wait3A_197 = arith.constant 0 : i32
      %dma_wait3A_198 = tpu.memref_slice %arg6[%dma_wait3A_196, %dma_wait3A_197] : memref<512x128xf32, #tpu.memory_space<vmem>> -> memref<128x128xf32, #tpu.memory_space<vmem>>
      %dma_wait3A_199 = arith.constant 0 : i32
      %dma_wait3A_200 = tpu.memref_slice %arg5[%dma_wait3A_195, %dma_wait3A_199] : memref<200x128xi32, #tpu.memory_space<vmem>> -> memref<1x128xi32, #tpu.memory_space<vmem>>
      %dma_wait3A_201 = tpu.memref_squeeze %dma_wait3A_200 : memref<1x128xi32, #tpu.memory_space<vmem>> -> memref<128xi32, #tpu.memory_space<vmem>>
      %dma_wait3A_202 = arith.constant 0 : i32
      %dma_wait3A_203 = arith.constant 0 : i32
      %dma_wait3A_204 = tpu.memref_slice %arg3[%dma_wait3A_202, %dma_wait3A_203] : memref<1000000x128xf32, #tpu.memory_space<hbm>> -> memref<1000000x128xf32, #tpu.memory_space<hbm>>
      tpu.wait_indirect_dma semaphore(%arg7 : memref<!tpu.dma_semaphore, #tpu.memory_space<semaphore_mem>>) src(%dma_wait3A_204 : memref<1000000x128xf32, #tpu.memory_space<hbm>>) dst(%dma_wait3A_198 : memref<128x128xf32, #tpu.memory_space<vmem>>)
      %add3A_205 = arith.addi %mul3A_2, %add3A_194 : i32
      %mul3A_206 = arith.constant 128 : i32
      %mul3A_207 = arith.muli %add3A_205, %mul3A_206 : i32
      %dma_start3A_208 = arith.constant 0 : i32
      %dma_start3A_209 = arith.constant 0 : i32
      %dma_start3A_210 = tpu.memref_slice %arg6[%dma_start3A_208, %dma_start3A_209] : memref<512x128xf32, #tpu.memory_space<vmem>> -> memref<128x64xf32, #tpu.memory_space<vmem>>
      %dma_start3A_211 = arith.constant 0 : i32
      %dma_start3A_212 = tpu.memref_slice %arg4[%mul3A_207, %dma_start3A_211] : memref<819200x128xf32, #tpu.memory_space<hbm>> -> memref<128x64xf32, #tpu.memory_space<hbm>>
      %dma_start3A_213 = arith.constant 0 : i32
      %dma_start3A_214 = tpu.memref_slice %arg4[%mul3A_207, %dma_start3A_213] : memref<819200x128xf32, #tpu.memory_space<hbm>> -> memref<128x64xf32, #tpu.memory_space<hbm>>
      %dma_start3A_215 = arith.constant 0 : i32
      %dma_start3A_216 = arith.constant 0 : i32
      %dma_start3A_217 = tpu.memref_slice %arg6[%dma_start3A_215, %dma_start3A_216] : memref<512x128xf32, #tpu.memory_space<vmem>> -> memref<128x64xf32, #tpu.memory_space<vmem>>
      tpu.enqueue_dma source(%dma_start3A_217 : memref<128x64xf32, #tpu.memory_space<vmem>>) target(%dma_start3A_214 : memref<128x64xf32, #tpu.memory_space<hbm>>) target_semaphore(%arg11 : memref<!tpu.dma_semaphore, #tpu.memory_space<semaphore_mem>>)
      %mul3A_218 = arith.constant 128 : i32
      %mul3A_219 = arith.muli %mul3A_2, %mul3A_218 : i32
      %dma_wait3A_220 = arith.constant 0 : i32
      %dma_wait3A_221 = arith.constant 0 : i32
      %dma_wait3A_222 = tpu.memref_slice %arg6[%dma_wait3A_220, %dma_wait3A_221] : memref<512x128xf32, #tpu.memory_space<vmem>> -> memref<128x64xf32, #tpu.memory_space<vmem>>
      %dma_wait3A_223 = arith.constant 0 : i32
      %dma_wait3A_224 = tpu.memref_slice %arg4[%mul3A_219, %dma_wait3A_223] : memref<819200x128xf32, #tpu.memory_space<hbm>> -> memref<128x64xf32, #tpu.memory_space<hbm>>
      %dma_wait3A_225 = arith.constant 0 : i32
      %dma_wait3A_226 = tpu.memref_slice %arg4[%mul3A_219, %dma_wait3A_225] : memref<819200x128xf32, #tpu.memory_space<hbm>> -> memref<128x64xf32, #tpu.memory_space<hbm>>
      %dma_wait3A_227 = arith.constant 0 : i32
      %dma_wait3A_228 = arith.constant 0 : i32
      %dma_wait3A_229 = tpu.memref_slice %arg6[%dma_wait3A_227, %dma_wait3A_228] : memref<512x128xf32, #tpu.memory_space<vmem>> -> memref<128x64xf32, #tpu.memory_space<vmem>>
      tpu.wait_dma2 semaphore(%arg11 : memref<!tpu.dma_semaphore, #tpu.memory_space<semaphore_mem>>) src(%dma_wait3A_229 : memref<128x64xf32, #tpu.memory_space<vmem>>) dst(%dma_wait3A_226 : memref<128x64xf32, #tpu.memory_space<hbm>>)
      %add3A_230 = arith.constant 4 : i32
      %add3A_231 = arith.addi %add3A_194, %add3A_230 : i32
      %dma_start3A_232 = arith.constant 0 : i32
      %dma_start3A_233 = arith.constant 0 : i32
      %dma_start3A_234 = tpu.memref_slice %arg6[%dma_start3A_232, %dma_start3A_233] : memref<512x128xf32, #tpu.memory_space<vmem>> -> memref<128x128xf32, #tpu.memory_space<vmem>>
      %dma_start3A_235 = arith.constant 0 : i32
      %dma_start3A_236 = tpu.memref_slice %arg5[%add3A_231, %dma_start3A_235] : memref<200x128xi32, #tpu.memory_space<vmem>> -> memref<1x128xi32, #tpu.memory_space<vmem>>
      %dma_start3A_237 = tpu.memref_squeeze %dma_start3A_236 : memref<1x128xi32, #tpu.memory_space<vmem>> -> memref<128xi32, #tpu.memory_space<vmem>>
      %dma_start3A_238 = arith.constant 0 : i32
      %dma_start3A_239 = arith.constant 0 : i32
      %dma_start3A_240 = tpu.memref_slice %arg3[%dma_start3A_238, %dma_start3A_239] : memref<1000000x128xf32, #tpu.memory_space<hbm>> -> memref<1000000x128xf32, #tpu.memory_space<hbm>>
      tpu.enqueue_indirect_dma source(%dma_start3A_240 : memref<1000000x128xf32, #tpu.memory_space<hbm>>) target(%dma_start3A_234 : memref<128x128xf32, #tpu.memory_space<vmem>>) offsets(%dma_start3A_237 : memref<128xi32, #tpu.memory_space<vmem>>) semaphore(%arg7 : memref<!tpu.dma_semaphore, #tpu.memory_space<semaphore_mem>>)
      %add3A_241 = arith.constant 1 : i32
      %add3A_242 = arith.addi %mul3A_192, %add3A_241 : i32
      %dma_wait3A_243 = arith.constant 0 : i32
      %dma_wait3A_244 = arith.constant 128 : i32
      %dma_wait3A_245 = arith.constant 0 : i32
      %dma_wait3A_246 = tpu.memref_slice %arg6[%dma_wait3A_244, %dma_wait3A_245] : memref<512x128xf32, #tpu.memory_space<vmem>> -> memref<128x128xf32, #tpu.memory_space<vmem>>
      %dma_wait3A_247 = arith.constant 0 : i32
      %dma_wait3A_248 = tpu.memref_slice %arg5[%dma_wait3A_243, %dma_wait3A_247] : memref<200x128xi32, #tpu.memory_space<vmem>> -> memref<1x128xi32, #tpu.memory_space<vmem>>
      %dma_wait3A_249 = tpu.memref_squeeze %dma_wait3A_248 : memref<1x128xi32, #tpu.memory_space<vmem>> -> memref<128xi32, #tpu.memory_space<vmem>>
      %dma_wait3A_250 = arith.constant 0 : i32
      %dma_wait3A_251 = arith.constant 0 : i32
      %dma_wait3A_252 = tpu.memref_slice %arg3[%dma_wait3A_250, %dma_wait3A_251] : memref<1000000x128xf32, #tpu.memory_space<hbm>> -> memref<1000000x128xf32, #tpu.memory_space<hbm>>
      tpu.wait_indirect_dma semaphore(%arg8 : memref<!tpu.dma_semaphore, #tpu.memory_space<semaphore_mem>>) src(%dma_wait3A_252 : memref<1000000x128xf32, #tpu.memory_space<hbm>>) dst(%dma_wait3A_246 : memref<128x128xf32, #tpu.memory_space<vmem>>)
      %add3A_253 = arith.addi %mul3A_2, %add3A_242 : i32
      %mul3A_254 = arith.constant 128 : i32
      %mul3A_255 = arith.muli %add3A_253, %mul3A_254 : i32
      %dma_start3A_256 = arith.constant 128 : i32
      %dma_start3A_257 = arith.constant 0 : i32
      %dma_start3A_258 = tpu.memref_slice %arg6[%dma_start3A_256, %dma_start3A_257] : memref<512x128xf32, #tpu.memory_space<vmem>> -> memref<128x64xf32, #tpu.memory_space<vmem>>
      %dma_start3A_259 = arith.constant 0 : i32
      %dma_start3A_260 = tpu.memref_slice %arg4[%mul3A_255, %dma_start3A_259] : memref<819200x128xf32, #tpu.memory_space<hbm>> -> memref<128x64xf32, #tpu.memory_space<hbm>>
      %dma_start3A_261 = arith.constant 0 : i32
      %dma_start3A_262 = tpu.memref_slice %arg4[%mul3A_255, %dma_start3A_261] : memref<819200x128xf32, #tpu.memory_space<hbm>> -> memref<128x64xf32, #tpu.memory_space<hbm>>
      %dma_start3A_263 = arith.constant 128 : i32
      %dma_start3A_264 = arith.constant 0 : i32
      %dma_start3A_265 = tpu.memref_slice %arg6[%dma_start3A_263, %dma_start3A_264] : memref<512x128xf32, #tpu.memory_space<vmem>> -> memref<128x64xf32, #tpu.memory_space<vmem>>
      tpu.enqueue_dma source(%dma_start3A_265 : memref<128x64xf32, #tpu.memory_space<vmem>>) target(%dma_start3A_262 : memref<128x64xf32, #tpu.memory_space<hbm>>) target_semaphore(%arg12 : memref<!tpu.dma_semaphore, #tpu.memory_space<semaphore_mem>>)
      %mul3A_266 = arith.constant 128 : i32
      %mul3A_267 = arith.muli %mul3A_2, %mul3A_266 : i32
      %dma_wait3A_268 = arith.constant 128 : i32
      %dma_wait3A_269 = arith.constant 0 : i32
      %dma_wait3A_270 = tpu.memref_slice %arg6[%dma_wait3A_268, %dma_wait3A_269] : memref<512x128xf32, #tpu.memory_space<vmem>> -> memref<128x64xf32, #tpu.memory_space<vmem>>
      %dma_wait3A_271 = arith.constant 0 : i32
      %dma_wait3A_272 = tpu.memref_slice %arg4[%mul3A_267, %dma_wait3A_271] : memref<819200x128xf32, #tpu.memory_space<hbm>> -> memref<128x64xf32, #tpu.memory_space<hbm>>
      %dma_wait3A_273 = arith.constant 0 : i32
      %dma_wait3A_274 = tpu.memref_slice %arg4[%mul3A_267, %dma_wait3A_273] : memref<819200x128xf32, #tpu.memory_space<hbm>> -> memref<128x64xf32, #tpu.memory_space<hbm>>
      %dma_wait3A_275 = arith.constant 128 : i32
      %dma_wait3A_276 = arith.constant 0 : i32
      %dma_wait3A_277 = tpu.memref_slice %arg6[%dma_wait3A_275, %dma_wait3A_276] : memref<512x128xf32, #tpu.memory_space<vmem>> -> memref<128x64xf32, #tpu.memory_space<vmem>>
      tpu.wait_dma2 semaphore(%arg12 : memref<!tpu.dma_semaphore, #tpu.memory_space<semaphore_mem>>) src(%dma_wait3A_277 : memref<128x64xf32, #tpu.memory_space<vmem>>) dst(%dma_wait3A_274 : memref<128x64xf32, #tpu.memory_space<hbm>>)
      %add3A_278 = arith.constant 4 : i32
      %add3A_279 = arith.addi %add3A_242, %add3A_278 : i32
      %dma_start3A_280 = arith.constant 128 : i32
      %dma_start3A_281 = arith.constant 0 : i32
      %dma_start3A_282 = tpu.memref_slice %arg6[%dma_start3A_280, %dma_start3A_281] : memref<512x128xf32, #tpu.memory_space<vmem>> -> memref<128x128xf32, #tpu.memory_space<vmem>>
      %dma_start3A_283 = arith.constant 0 : i32
      %dma_start3A_284 = tpu.memref_slice %arg5[%add3A_279, %dma_start3A_283] : memref<200x128xi32, #tpu.memory_space<vmem>> -> memref<1x128xi32, #tpu.memory_space<vmem>>
      %dma_start3A_285 = tpu.memref_squeeze %dma_start3A_284 : memref<1x128xi32, #tpu.memory_space<vmem>> -> memref<128xi32, #tpu.memory_space<vmem>>
      %dma_start3A_286 = arith.constant 0 : i32
      %dma_start3A_287 = arith.constant 0 : i32
      %dma_start3A_288 = tpu.memref_slice %arg3[%dma_start3A_286, %dma_start3A_287] : memref<1000000x128xf32, #tpu.memory_space<hbm>> -> memref<1000000x128xf32, #tpu.memory_space<hbm>>
      tpu.enqueue_indirect_dma source(%dma_start3A_288 : memref<1000000x128xf32, #tpu.memory_space<hbm>>) target(%dma_start3A_282 : memref<128x128xf32, #tpu.memory_space<vmem>>) offsets(%dma_start3A_285 : memref<128xi32, #tpu.memory_space<vmem>>) semaphore(%arg8 : memref<!tpu.dma_semaphore, #tpu.memory_space<semaphore_mem>>)
      %add3A_289 = arith.constant 2 : i32
      %add3A_290 = arith.addi %mul3A_192, %add3A_289 : i32
      %dma_wait3A_291 = arith.constant 0 : i32
      %dma_wait3A_292 = arith.constant 256 : i32
      %dma_wait3A_293 = arith.constant 0 : i32
      %dma_wait3A_294 = tpu.memref_slice %arg6[%dma_wait3A_292, %dma_wait3A_293] : memref<512x128xf32, #tpu.memory_space<vmem>> -> memref<128x128xf32, #tpu.memory_space<vmem>>
      %dma_wait3A_295 = arith.constant 0 : i32
      %dma_wait3A_296 = tpu.memref_slice %arg5[%dma_wait3A_291, %dma_wait3A_295] : memref<200x128xi32, #tpu.memory_space<vmem>> -> memref<1x128xi32, #tpu.memory_space<vmem>>
      %dma_wait3A_297 = tpu.memref_squeeze %dma_wait3A_296 : memref<1x128xi32, #tpu.memory_space<vmem>> -> memref<128xi32, #tpu.memory_space<vmem>>
      %dma_wait3A_298 = arith.constant 0 : i32
      %dma_wait3A_299 = arith.constant 0 : i32
      %dma_wait3A_300 = tpu.memref_slice %arg3[%dma_wait3A_298, %dma_wait3A_299] : memref<1000000x128xf32, #tpu.memory_space<hbm>> -> memref<1000000x128xf32, #tpu.memory_space<hbm>>
      tpu.wait_indirect_dma semaphore(%arg9 : memref<!tpu.dma_semaphore, #tpu.memory_space<semaphore_mem>>) src(%dma_wait3A_300 : memref<1000000x128xf32, #tpu.memory_space<hbm>>) dst(%dma_wait3A_294 : memref<128x128xf32, #tpu.memory_space<vmem>>)
      %add3A_301 = arith.addi %mul3A_2, %add3A_290 : i32
      %mul3A_302 = arith.constant 128 : i32
      %mul3A_303 = arith.muli %add3A_301, %mul3A_302 : i32
      %dma_start3A_304 = arith.constant 256 : i32
      %dma_start3A_305 = arith.constant 0 : i32
      %dma_start3A_306 = tpu.memref_slice %arg6[%dma_start3A_304, %dma_start3A_305] : memref<512x128xf32, #tpu.memory_space<vmem>> -> memref<128x64xf32, #tpu.memory_space<vmem>>
      %dma_start3A_307 = arith.constant 0 : i32
      %dma_start3A_308 = tpu.memref_slice %arg4[%mul3A_303, %dma_start3A_307] : memref<819200x128xf32, #tpu.memory_space<hbm>> -> memref<128x64xf32, #tpu.memory_space<hbm>>
      %dma_start3A_309 = arith.constant 0 : i32
      %dma_start3A_310 = tpu.memref_slice %arg4[%mul3A_303, %dma_start3A_309] : memref<819200x128xf32, #tpu.memory_space<hbm>> -> memref<128x64xf32, #tpu.memory_space<hbm>>
      %dma_start3A_311 = arith.constant 256 : i32
      %dma_start3A_312 = arith.constant 0 : i32
      %dma_start3A_313 = tpu.memref_slice %arg6[%dma_start3A_311, %dma_start3A_312] : memref<512x128xf32, #tpu.memory_space<vmem>> -> memref<128x64xf32, #tpu.memory_space<vmem>>
      tpu.enqueue_dma source(%dma_start3A_313 : memref<128x64xf32, #tpu.memory_space<vmem>>) target(%dma_start3A_310 : memref<128x64xf32, #tpu.memory_space<hbm>>) target_semaphore(%arg13 : memref<!tpu.dma_semaphore, #tpu.memory_space<semaphore_mem>>)
      %mul3A_314 = arith.constant 128 : i32
      %mul3A_315 = arith.muli %mul3A_2, %mul3A_314 : i32
      %dma_wait3A_316 = arith.constant 256 : i32
      %dma_wait3A_317 = arith.constant 0 : i32
      %dma_wait3A_318 = tpu.memref_slice %arg6[%dma_wait3A_316, %dma_wait3A_317] : memref<512x128xf32, #tpu.memory_space<vmem>> -> memref<128x64xf32, #tpu.memory_space<vmem>>
      %dma_wait3A_319 = arith.constant 0 : i32
      %dma_wait3A_320 = tpu.memref_slice %arg4[%mul3A_315, %dma_wait3A_319] : memref<819200x128xf32, #tpu.memory_space<hbm>> -> memref<128x64xf32, #tpu.memory_space<hbm>>
      %dma_wait3A_321 = arith.constant 0 : i32
      %dma_wait3A_322 = tpu.memref_slice %arg4[%mul3A_315, %dma_wait3A_321] : memref<819200x128xf32, #tpu.memory_space<hbm>> -> memref<128x64xf32, #tpu.memory_space<hbm>>
      %dma_wait3A_323 = arith.constant 256 : i32
      %dma_wait3A_324 = arith.constant 0 : i32
      %dma_wait3A_325 = tpu.memref_slice %arg6[%dma_wait3A_323, %dma_wait3A_324] : memref<512x128xf32, #tpu.memory_space<vmem>> -> memref<128x64xf32, #tpu.memory_space<vmem>>
      tpu.wait_dma2 semaphore(%arg13 : memref<!tpu.dma_semaphore, #tpu.memory_space<semaphore_mem>>) src(%dma_wait3A_325 : memref<128x64xf32, #tpu.memory_space<vmem>>) dst(%dma_wait3A_322 : memref<128x64xf32, #tpu.memory_space<hbm>>)
      %add3A_326 = arith.constant 4 : i32
      %add3A_327 = arith.addi %add3A_290, %add3A_326 : i32
      %dma_start3A_328 = arith.constant 256 : i32
      %dma_start3A_329 = arith.constant 0 : i32
      %dma_start3A_330 = tpu.memref_slice %arg6[%dma_start3A_328, %dma_start3A_329] : memref<512x128xf32, #tpu.memory_space<vmem>> -> memref<128x128xf32, #tpu.memory_space<vmem>>
      %dma_start3A_331 = arith.constant 0 : i32
      %dma_start3A_332 = tpu.memref_slice %arg5[%add3A_327, %dma_start3A_331] : memref<200x128xi32, #tpu.memory_space<vmem>> -> memref<1x128xi32, #tpu.memory_space<vmem>>
      %dma_start3A_333 = tpu.memref_squeeze %dma_start3A_332 : memref<1x128xi32, #tpu.memory_space<vmem>> -> memref<128xi32, #tpu.memory_space<vmem>>
      %dma_start3A_334 = arith.constant 0 : i32
      %dma_start3A_335 = arith.constant 0 : i32
      %dma_start3A_336 = tpu.memref_slice %arg3[%dma_start3A_334, %dma_start3A_335] : memref<1000000x128xf32, #tpu.memory_space<hbm>> -> memref<1000000x128xf32, #tpu.memory_space<hbm>>
      tpu.enqueue_indirect_dma source(%dma_start3A_336 : memref<1000000x128xf32, #tpu.memory_space<hbm>>) target(%dma_start3A_330 : memref<128x128xf32, #tpu.memory_space<vmem>>) offsets(%dma_start3A_333 : memref<128xi32, #tpu.memory_space<vmem>>) semaphore(%arg9 : memref<!tpu.dma_semaphore, #tpu.memory_space<semaphore_mem>>)
      %add3A_337 = arith.constant 3 : i32
      %add3A_338 = arith.addi %mul3A_192, %add3A_337 : i32
      %dma_wait3A_339 = arith.constant 0 : i32
      %dma_wait3A_340 = arith.constant 384 : i32
      %dma_wait3A_341 = arith.constant 0 : i32
      %dma_wait3A_342 = tpu.memref_slice %arg6[%dma_wait3A_340, %dma_wait3A_341] : memref<512x128xf32, #tpu.memory_space<vmem>> -> memref<128x128xf32, #tpu.memory_space<vmem>>
      %dma_wait3A_343 = arith.constant 0 : i32
      %dma_wait3A_344 = tpu.memref_slice %arg5[%dma_wait3A_339, %dma_wait3A_343] : memref<200x128xi32, #tpu.memory_space<vmem>> -> memref<1x128xi32, #tpu.memory_space<vmem>>
      %dma_wait3A_345 = tpu.memref_squeeze %dma_wait3A_344 : memref<1x128xi32, #tpu.memory_space<vmem>> -> memref<128xi32, #tpu.memory_space<vmem>>
      %dma_wait3A_346 = arith.constant 0 : i32
      %dma_wait3A_347 = arith.constant 0 : i32
      %dma_wait3A_348 = tpu.memref_slice %arg3[%dma_wait3A_346, %dma_wait3A_347] : memref<1000000x128xf32, #tpu.memory_space<hbm>> -> memref<1000000x128xf32, #tpu.memory_space<hbm>>
      tpu.wait_indirect_dma semaphore(%arg10 : memref<!tpu.dma_semaphore, #tpu.memory_space<semaphore_mem>>) src(%dma_wait3A_348 : memref<1000000x128xf32, #tpu.memory_space<hbm>>) dst(%dma_wait3A_342 : memref<128x128xf32, #tpu.memory_space<vmem>>)
      %add3A_349 = arith.addi %mul3A_2, %add3A_338 : i32
      %mul3A_350 = arith.constant 128 : i32
      %mul3A_351 = arith.muli %add3A_349, %mul3A_350 : i32
      %dma_start3A_352 = arith.constant 384 : i32
      %dma_start3A_353 = arith.constant 0 : i32
      %dma_start3A_354 = tpu.memref_slice %arg6[%dma_start3A_352, %dma_start3A_353] : memref<512x128xf32, #tpu.memory_space<vmem>> -> memref<128x64xf32, #tpu.memory_space<vmem>>
      %dma_start3A_355 = arith.constant 0 : i32
      %dma_start3A_356 = tpu.memref_slice %arg4[%mul3A_351, %dma_start3A_355] : memref<819200x128xf32, #tpu.memory_space<hbm>> -> memref<128x64xf32, #tpu.memory_space<hbm>>
      %dma_start3A_357 = arith.constant 0 : i32
      %dma_start3A_358 = tpu.memref_slice %arg4[%mul3A_351, %dma_start3A_357] : memref<819200x128xf32, #tpu.memory_space<hbm>> -> memref<128x64xf32, #tpu.memory_space<hbm>>
      %dma_start3A_359 = arith.constant 384 : i32
      %dma_start3A_360 = arith.constant 0 : i32
      %dma_start3A_361 = tpu.memref_slice %arg6[%dma_start3A_359, %dma_start3A_360] : memref<512x128xf32, #tpu.memory_space<vmem>> -> memref<128x64xf32, #tpu.memory_space<vmem>>
      tpu.enqueue_dma source(%dma_start3A_361 : memref<128x64xf32, #tpu.memory_space<vmem>>) target(%dma_start3A_358 : memref<128x64xf32, #tpu.memory_space<hbm>>) target_semaphore(%arg14 : memref<!tpu.dma_semaphore, #tpu.memory_space<semaphore_mem>>)
      %mul3A_362 = arith.constant 128 : i32
      %mul3A_363 = arith.muli %mul3A_2, %mul3A_362 : i32
      %dma_wait3A_364 = arith.constant 384 : i32
      %dma_wait3A_365 = arith.constant 0 : i32
      %dma_wait3A_366 = tpu.memref_slice %arg6[%dma_wait3A_364, %dma_wait3A_365] : memref<512x128xf32, #tpu.memory_space<vmem>> -> memref<128x64xf32, #tpu.memory_space<vmem>>
      %dma_wait3A_367 = arith.constant 0 : i32
      %dma_wait3A_368 = tpu.memref_slice %arg4[%mul3A_363, %dma_wait3A_367] : memref<819200x128xf32, #tpu.memory_space<hbm>> -> memref<128x64xf32, #tpu.memory_space<hbm>>
      %dma_wait3A_369 = arith.constant 0 : i32
      %dma_wait3A_370 = tpu.memref_slice %arg4[%mul3A_363, %dma_wait3A_369] : memref<819200x128xf32, #tpu.memory_space<hbm>> -> memref<128x64xf32, #tpu.memory_space<hbm>>
      %dma_wait3A_371 = arith.constant 384 : i32
      %dma_wait3A_372 = arith.constant 0 : i32
      %dma_wait3A_373 = tpu.memref_slice %arg6[%dma_wait3A_371, %dma_wait3A_372] : memref<512x128xf32, #tpu.memory_space<vmem>> -> memref<128x64xf32, #tpu.memory_space<vmem>>
      tpu.wait_dma2 semaphore(%arg14 : memref<!tpu.dma_semaphore, #tpu.memory_space<semaphore_mem>>) src(%dma_wait3A_373 : memref<128x64xf32, #tpu.memory_space<vmem>>) dst(%dma_wait3A_370 : memref<128x64xf32, #tpu.memory_space<hbm>>)
      %add3A_374 = arith.constant 4 : i32
      %add3A_375 = arith.addi %add3A_338, %add3A_374 : i32
      %dma_start3A_376 = arith.constant 384 : i32
      %dma_start3A_377 = arith.constant 0 : i32
      %dma_start3A_378 = tpu.memref_slice %arg6[%dma_start3A_376, %dma_start3A_377] : memref<512x128xf32, #tpu.memory_space<vmem>> -> memref<128x128xf32, #tpu.memory_space<vmem>>
      %dma_start3A_379 = arith.constant 0 : i32
      %dma_start3A_380 = tpu.memref_slice %arg5[%add3A_375, %dma_start3A_379] : memref<200x128xi32, #tpu.memory_space<vmem>> -> memref<1x128xi32, #tpu.memory_space<vmem>>
      %dma_start3A_381 = tpu.memref_squeeze %dma_start3A_380 : memref<1x128xi32, #tpu.memory_space<vmem>> -> memref<128xi32, #tpu.memory_space<vmem>>
      %dma_start3A_382 = arith.constant 0 : i32
      %dma_start3A_383 = arith.constant 0 : i32
      %dma_start3A_384 = tpu.memref_slice %arg3[%dma_start3A_382, %dma_start3A_383] : memref<1000000x128xf32, #tpu.memory_space<hbm>> -> memref<1000000x128xf32, #tpu.memory_space<hbm>>
      tpu.enqueue_indirect_dma source(%dma_start3A_384 : memref<1000000x128xf32, #tpu.memory_space<hbm>>) target(%dma_start3A_378 : memref<128x128xf32, #tpu.memory_space<vmem>>) offsets(%dma_start3A_381 : memref<128xi32, #tpu.memory_space<vmem>>) semaphore(%arg10 : memref<!tpu.dma_semaphore, #tpu.memory_space<semaphore_mem>>)
    }
    %scan3A_46 = arith.constant 49 : i32
    %dma_wait3A = arith.constant 0 : i32
    %dma_wait3A_47 = arith.constant 0 : i32
    %dma_wait3A_48 = arith.constant 0 : i32
    %dma_wait3A_49 = tpu.memref_slice %arg6[%dma_wait3A_47, %dma_wait3A_48] : memref<512x128xf32, #tpu.memory_space<vmem>> -> memref<128x128xf32, #tpu.memory_space<vmem>>
    %dma_wait3A_50 = arith.constant 0 : i32
    %dma_wait3A_51 = tpu.memref_slice %arg5[%dma_wait3A, %dma_wait3A_50] : memref<200x128xi32, #tpu.memory_space<vmem>> -> memref<1x128xi32, #tpu.memory_space<vmem>>
    %dma_wait3A_52 = tpu.memref_squeeze %dma_wait3A_51 : memref<1x128xi32, #tpu.memory_space<vmem>> -> memref<128xi32, #tpu.memory_space<vmem>>
    %dma_wait3A_53 = arith.constant 0 : i32
    %dma_wait3A_54 = arith.constant 0 : i32
    %dma_wait3A_55 = tpu.memref_slice %arg3[%dma_wait3A_53, %dma_wait3A_54] : memref<1000000x128xf32, #tpu.memory_space<hbm>> -> memref<1000000x128xf32, #tpu.memory_space<hbm>>
    tpu.wait_indirect_dma semaphore(%arg7 : memref<!tpu.dma_semaphore, #tpu.memory_space<semaphore_mem>>) src(%dma_wait3A_55 : memref<1000000x128xf32, #tpu.memory_space<hbm>>) dst(%dma_wait3A_49 : memref<128x128xf32, #tpu.memory_space<vmem>>)
    %add3A_56 = arith.constant 196 : i32
    %add3A_57 = arith.addi %mul3A_2, %add3A_56 : i32
    %mul3A_58 = arith.constant 128 : i32
    %mul3A_59 = arith.muli %add3A_57, %mul3A_58 : i32
    %dma_start3A_60 = arith.constant 0 : i32
    %dma_start3A_61 = arith.constant 0 : i32
    %dma_start3A_62 = tpu.memref_slice %arg6[%dma_start3A_60, %dma_start3A_61] : memref<512x128xf32, #tpu.memory_space<vmem>> -> memref<128x64xf32, #tpu.memory_space<vmem>>
    %dma_start3A_63 = arith.constant 0 : i32
    %dma_start3A_64 = tpu.memref_slice %arg4[%mul3A_59, %dma_start3A_63] : memref<819200x128xf32, #tpu.memory_space<hbm>> -> memref<128x64xf32, #tpu.memory_space<hbm>>
    %dma_start3A_65 = arith.constant 0 : i32
    %dma_start3A_66 = tpu.memref_slice %arg4[%mul3A_59, %dma_start3A_65] : memref<819200x128xf32, #tpu.memory_space<hbm>> -> memref<128x64xf32, #tpu.memory_space<hbm>>
    %dma_start3A_67 = arith.constant 0 : i32
    %dma_start3A_68 = arith.constant 0 : i32
    %dma_start3A_69 = tpu.memref_slice %arg6[%dma_start3A_67, %dma_start3A_68] : memref<512x128xf32, #tpu.memory_space<vmem>> -> memref<128x64xf32, #tpu.memory_space<vmem>>
    tpu.enqueue_dma source(%dma_start3A_69 : memref<128x64xf32, #tpu.memory_space<vmem>>) target(%dma_start3A_66 : memref<128x64xf32, #tpu.memory_space<hbm>>) target_semaphore(%arg11 : memref<!tpu.dma_semaphore, #tpu.memory_space<semaphore_mem>>)
    %dma_wait3A_70 = arith.constant 0 : i32
    %dma_wait3A_71 = arith.constant 128 : i32
    %dma_wait3A_72 = arith.constant 0 : i32
    %dma_wait3A_73 = tpu.memref_slice %arg6[%dma_wait3A_71, %dma_wait3A_72] : memref<512x128xf32, #tpu.memory_space<vmem>> -> memref<128x128xf32, #tpu.memory_space<vmem>>
    %dma_wait3A_74 = arith.constant 0 : i32
    %dma_wait3A_75 = tpu.memref_slice %arg5[%dma_wait3A_70, %dma_wait3A_74] : memref<200x128xi32, #tpu.memory_space<vmem>> -> memref<1x128xi32, #tpu.memory_space<vmem>>
    %dma_wait3A_76 = tpu.memref_squeeze %dma_wait3A_75 : memref<1x128xi32, #tpu.memory_space<vmem>> -> memref<128xi32, #tpu.memory_space<vmem>>
    %dma_wait3A_77 = arith.constant 0 : i32
    %dma_wait3A_78 = arith.constant 0 : i32
    %dma_wait3A_79 = tpu.memref_slice %arg3[%dma_wait3A_77, %dma_wait3A_78] : memref<1000000x128xf32, #tpu.memory_space<hbm>> -> memref<1000000x128xf32, #tpu.memory_space<hbm>>
    tpu.wait_indirect_dma semaphore(%arg8 : memref<!tpu.dma_semaphore, #tpu.memory_space<semaphore_mem>>) src(%dma_wait3A_79 : memref<1000000x128xf32, #tpu.memory_space<hbm>>) dst(%dma_wait3A_73 : memref<128x128xf32, #tpu.memory_space<vmem>>)
    %add3A_80 = arith.constant 197 : i32
    %add3A_81 = arith.addi %mul3A_2, %add3A_80 : i32
    %mul3A_82 = arith.constant 128 : i32
    %mul3A_83 = arith.muli %add3A_81, %mul3A_82 : i32
    %dma_start3A_84 = arith.constant 128 : i32
    %dma_start3A_85 = arith.constant 0 : i32
    %dma_start3A_86 = tpu.memref_slice %arg6[%dma_start3A_84, %dma_start3A_85] : memref<512x128xf32, #tpu.memory_space<vmem>> -> memref<128x64xf32, #tpu.memory_space<vmem>>
    %dma_start3A_87 = arith.constant 0 : i32
    %dma_start3A_88 = tpu.memref_slice %arg4[%mul3A_83, %dma_start3A_87] : memref<819200x128xf32, #tpu.memory_space<hbm>> -> memref<128x64xf32, #tpu.memory_space<hbm>>
    %dma_start3A_89 = arith.constant 0 : i32
    %dma_start3A_90 = tpu.memref_slice %arg4[%mul3A_83, %dma_start3A_89] : memref<819200x128xf32, #tpu.memory_space<hbm>> -> memref<128x64xf32, #tpu.memory_space<hbm>>
    %dma_start3A_91 = arith.constant 128 : i32
    %dma_start3A_92 = arith.constant 0 : i32
    %dma_start3A_93 = tpu.memref_slice %arg6[%dma_start3A_91, %dma_start3A_92] : memref<512x128xf32, #tpu.memory_space<vmem>> -> memref<128x64xf32, #tpu.memory_space<vmem>>
    tpu.enqueue_dma source(%dma_start3A_93 : memref<128x64xf32, #tpu.memory_space<vmem>>) target(%dma_start3A_90 : memref<128x64xf32, #tpu.memory_space<hbm>>) target_semaphore(%arg12 : memref<!tpu.dma_semaphore, #tpu.memory_space<semaphore_mem>>)
    %dma_wait3A_94 = arith.constant 0 : i32
    %dma_wait3A_95 = arith.constant 256 : i32
    %dma_wait3A_96 = arith.constant 0 : i32
    %dma_wait3A_97 = tpu.memref_slice %arg6[%dma_wait3A_95, %dma_wait3A_96] : memref<512x128xf32, #tpu.memory_space<vmem>> -> memref<128x128xf32, #tpu.memory_space<vmem>>
    %dma_wait3A_98 = arith.constant 0 : i32
    %dma_wait3A_99 = tpu.memref_slice %arg5[%dma_wait3A_94, %dma_wait3A_98] : memref<200x128xi32, #tpu.memory_space<vmem>> -> memref<1x128xi32, #tpu.memory_space<vmem>>
    %dma_wait3A_100 = tpu.memref_squeeze %dma_wait3A_99 : memref<1x128xi32, #tpu.memory_space<vmem>> -> memref<128xi32, #tpu.memory_space<vmem>>
    %dma_wait3A_101 = arith.constant 0 : i32
    %dma_wait3A_102 = arith.constant 0 : i32
    %dma_wait3A_103 = tpu.memref_slice %arg3[%dma_wait3A_101, %dma_wait3A_102] : memref<1000000x128xf32, #tpu.memory_space<hbm>> -> memref<1000000x128xf32, #tpu.memory_space<hbm>>
    tpu.wait_indirect_dma semaphore(%arg9 : memref<!tpu.dma_semaphore, #tpu.memory_space<semaphore_mem>>) src(%dma_wait3A_103 : memref<1000000x128xf32, #tpu.memory_space<hbm>>) dst(%dma_wait3A_97 : memref<128x128xf32, #tpu.memory_space<vmem>>)
    %add3A_104 = arith.constant 198 : i32
    %add3A_105 = arith.addi %mul3A_2, %add3A_104 : i32
    %mul3A_106 = arith.constant 128 : i32
    %mul3A_107 = arith.muli %add3A_105, %mul3A_106 : i32
    %dma_start3A_108 = arith.constant 256 : i32
    %dma_start3A_109 = arith.constant 0 : i32
    %dma_start3A_110 = tpu.memref_slice %arg6[%dma_start3A_108, %dma_start3A_109] : memref<512x128xf32, #tpu.memory_space<vmem>> -> memref<128x64xf32, #tpu.memory_space<vmem>>
    %dma_start3A_111 = arith.constant 0 : i32
    %dma_start3A_112 = tpu.memref_slice %arg4[%mul3A_107, %dma_start3A_111] : memref<819200x128xf32, #tpu.memory_space<hbm>> -> memref<128x64xf32, #tpu.memory_space<hbm>>
    %dma_start3A_113 = arith.constant 0 : i32
    %dma_start3A_114 = tpu.memref_slice %arg4[%mul3A_107, %dma_start3A_113] : memref<819200x128xf32, #tpu.memory_space<hbm>> -> memref<128x64xf32, #tpu.memory_space<hbm>>
    %dma_start3A_115 = arith.constant 256 : i32
    %dma_start3A_116 = arith.constant 0 : i32
    %dma_start3A_117 = tpu.memref_slice %arg6[%dma_start3A_115, %dma_start3A_116] : memref<512x128xf32, #tpu.memory_space<vmem>> -> memref<128x64xf32, #tpu.memory_space<vmem>>
    tpu.enqueue_dma source(%dma_start3A_117 : memref<128x64xf32, #tpu.memory_space<vmem>>) target(%dma_start3A_114 : memref<128x64xf32, #tpu.memory_space<hbm>>) target_semaphore(%arg13 : memref<!tpu.dma_semaphore, #tpu.memory_space<semaphore_mem>>)
    %dma_wait3A_118 = arith.constant 0 : i32
    %dma_wait3A_119 = arith.constant 384 : i32
    %dma_wait3A_120 = arith.constant 0 : i32
    %dma_wait3A_121 = tpu.memref_slice %arg6[%dma_wait3A_119, %dma_wait3A_120] : memref<512x128xf32, #tpu.memory_space<vmem>> -> memref<128x128xf32, #tpu.memory_space<vmem>>
    %dma_wait3A_122 = arith.constant 0 : i32
    %dma_wait3A_123 = tpu.memref_slice %arg5[%dma_wait3A_118, %dma_wait3A_122] : memref<200x128xi32, #tpu.memory_space<vmem>> -> memref<1x128xi32, #tpu.memory_space<vmem>>
    %dma_wait3A_124 = tpu.memref_squeeze %dma_wait3A_123 : memref<1x128xi32, #tpu.memory_space<vmem>> -> memref<128xi32, #tpu.memory_space<vmem>>
    %dma_wait3A_125 = arith.constant 0 : i32
    %dma_wait3A_126 = arith.constant 0 : i32
    %dma_wait3A_127 = tpu.memref_slice %arg3[%dma_wait3A_125, %dma_wait3A_126] : memref<1000000x128xf32, #tpu.memory_space<hbm>> -> memref<1000000x128xf32, #tpu.memory_space<hbm>>
    tpu.wait_indirect_dma semaphore(%arg10 : memref<!tpu.dma_semaphore, #tpu.memory_space<semaphore_mem>>) src(%dma_wait3A_127 : memref<1000000x128xf32, #tpu.memory_space<hbm>>) dst(%dma_wait3A_121 : memref<128x128xf32, #tpu.memory_space<vmem>>)
    %add3A_128 = arith.constant 199 : i32
    %add3A_129 = arith.addi %mul3A_2, %add3A_128 : i32
    %mul3A_130 = arith.constant 128 : i32
    %mul3A_131 = arith.muli %add3A_129, %mul3A_130 : i32
    %dma_start3A_132 = arith.constant 384 : i32
    %dma_start3A_133 = arith.constant 0 : i32
    %dma_start3A_134 = tpu.memref_slice %arg6[%dma_start3A_132, %dma_start3A_133] : memref<512x128xf32, #tpu.memory_space<vmem>> -> memref<128x64xf32, #tpu.memory_space<vmem>>
    %dma_start3A_135 = arith.constant 0 : i32
    %dma_start3A_136 = tpu.memref_slice %arg4[%mul3A_131, %dma_start3A_135] : memref<819200x128xf32, #tpu.memory_space<hbm>> -> memref<128x64xf32, #tpu.memory_space<hbm>>
    %dma_start3A_137 = arith.constant 0 : i32
    %dma_start3A_138 = tpu.memref_slice %arg4[%mul3A_131, %dma_start3A_137] : memref<819200x128xf32, #tpu.memory_space<hbm>> -> memref<128x64xf32, #tpu.memory_space<hbm>>
    %dma_start3A_139 = arith.constant 384 : i32
    %dma_start3A_140 = arith.constant 0 : i32
    %dma_start3A_141 = tpu.memref_slice %arg6[%dma_start3A_139, %dma_start3A_140] : memref<512x128xf32, #tpu.memory_space<vmem>> -> memref<128x64xf32, #tpu.memory_space<vmem>>
    tpu.enqueue_dma source(%dma_start3A_141 : memref<128x64xf32, #tpu.memory_space<vmem>>) target(%dma_start3A_138 : memref<128x64xf32, #tpu.memory_space<hbm>>) target_semaphore(%arg14 : memref<!tpu.dma_semaphore, #tpu.memory_space<semaphore_mem>>)
    %mul3A_142 = arith.constant 128 : i32
    %mul3A_143 = arith.muli %mul3A_2, %mul3A_142 : i32
    %dma_wait3A_144 = arith.constant 0 : i32
    %dma_wait3A_145 = arith.constant 0 : i32
    %dma_wait3A_146 = tpu.memref_slice %arg6[%dma_wait3A_144, %dma_wait3A_145] : memref<512x128xf32, #tpu.memory_space<vmem>> -> memref<128x64xf32, #tpu.memory_space<vmem>>
    %dma_wait3A_147 = arith.constant 0 : i32
    %dma_wait3A_148 = tpu.memref_slice %arg4[%mul3A_143, %dma_wait3A_147] : memref<819200x128xf32, #tpu.memory_space<hbm>> -> memref<128x64xf32, #tpu.memory_space<hbm>>
    %dma_wait3A_149 = arith.constant 0 : i32
    %dma_wait3A_150 = tpu.memref_slice %arg4[%mul3A_143, %dma_wait3A_149] : memref<819200x128xf32, #tpu.memory_space<hbm>> -> memref<128x64xf32, #tpu.memory_space<hbm>>
    %dma_wait3A_151 = arith.constant 0 : i32
    %dma_wait3A_152 = arith.constant 0 : i32
    %dma_wait3A_153 = tpu.memref_slice %arg6[%dma_wait3A_151, %dma_wait3A_152] : memref<512x128xf32, #tpu.memory_space<vmem>> -> memref<128x64xf32, #tpu.memory_space<vmem>>
    tpu.wait_dma2 semaphore(%arg11 : memref<!tpu.dma_semaphore, #tpu.memory_space<semaphore_mem>>) src(%dma_wait3A_153 : memref<128x64xf32, #tpu.memory_space<vmem>>) dst(%dma_wait3A_150 : memref<128x64xf32, #tpu.memory_space<hbm>>)
    %mul3A_154 = arith.constant 128 : i32
    %mul3A_155 = arith.muli %mul3A_2, %mul3A_154 : i32
    %dma_wait3A_156 = arith.constant 128 : i32
    %dma_wait3A_157 = arith.constant 0 : i32
    %dma_wait3A_158 = tpu.memref_slice %arg6[%dma_wait3A_156, %dma_wait3A_157] : memref<512x128xf32, #tpu.memory_space<vmem>> -> memref<128x64xf32, #tpu.memory_space<vmem>>
    %dma_wait3A_159 = arith.constant 0 : i32
    %dma_wait3A_160 = tpu.memref_slice %arg4[%mul3A_155, %dma_wait3A_159] : memref<819200x128xf32, #tpu.memory_space<hbm>> -> memref<128x64xf32, #tpu.memory_space<hbm>>
    %dma_wait3A_161 = arith.constant 0 : i32
    %dma_wait3A_162 = tpu.memref_slice %arg4[%mul3A_155, %dma_wait3A_161] : memref<819200x128xf32, #tpu.memory_space<hbm>> -> memref<128x64xf32, #tpu.memory_space<hbm>>
    %dma_wait3A_163 = arith.constant 128 : i32
    %dma_wait3A_164 = arith.constant 0 : i32
    %dma_wait3A_165 = tpu.memref_slice %arg6[%dma_wait3A_163, %dma_wait3A_164] : memref<512x128xf32, #tpu.memory_space<vmem>> -> memref<128x64xf32, #tpu.memory_space<vmem>>
    tpu.wait_dma2 semaphore(%arg12 : memref<!tpu.dma_semaphore, #tpu.memory_space<semaphore_mem>>) src(%dma_wait3A_165 : memref<128x64xf32, #tpu.memory_space<vmem>>) dst(%dma_wait3A_162 : memref<128x64xf32, #tpu.memory_space<hbm>>)
    %mul3A_166 = arith.constant 128 : i32
    %mul3A_167 = arith.muli %mul3A_2, %mul3A_166 : i32
    %dma_wait3A_168 = arith.constant 256 : i32
    %dma_wait3A_169 = arith.constant 0 : i32
    %dma_wait3A_170 = tpu.memref_slice %arg6[%dma_wait3A_168, %dma_wait3A_169] : memref<512x128xf32, #tpu.memory_space<vmem>> -> memref<128x64xf32, #tpu.memory_space<vmem>>
    %dma_wait3A_171 = arith.constant 0 : i32
    %dma_wait3A_172 = tpu.memref_slice %arg4[%mul3A_167, %dma_wait3A_171] : memref<819200x128xf32, #tpu.memory_space<hbm>> -> memref<128x64xf32, #tpu.memory_space<hbm>>
    %dma_wait3A_173 = arith.constant 0 : i32
    %dma_wait3A_174 = tpu.memref_slice %arg4[%mul3A_167, %dma_wait3A_173] : memref<819200x128xf32, #tpu.memory_space<hbm>> -> memref<128x64xf32, #tpu.memory_space<hbm>>
    %dma_wait3A_175 = arith.constant 256 : i32
    %dma_wait3A_176 = arith.constant 0 : i32
    %dma_wait3A_177 = tpu.memref_slice %arg6[%dma_wait3A_175, %dma_wait3A_176] : memref<512x128xf32, #tpu.memory_space<vmem>> -> memref<128x64xf32, #tpu.memory_space<vmem>>
    tpu.wait_dma2 semaphore(%arg13 : memref<!tpu.dma_semaphore, #tpu.memory_space<semaphore_mem>>) src(%dma_wait3A_177 : memref<128x64xf32, #tpu.memory_space<vmem>>) dst(%dma_wait3A_174 : memref<128x64xf32, #tpu.memory_space<hbm>>)
    %mul3A_178 = arith.constant 128 : i32
    %mul3A_179 = arith.muli %mul3A_2, %mul3A_178 : i32
    %dma_wait3A_180 = arith.constant 384 : i32
    %dma_wait3A_181 = arith.constant 0 : i32
    %dma_wait3A_182 = tpu.memref_slice %arg6[%dma_wait3A_180, %dma_wait3A_181] : memref<512x128xf32, #tpu.memory_space<vmem>> -> memref<128x64xf32, #tpu.memory_space<vmem>>
    %dma_wait3A_183 = arith.constant 0 : i32
    %dma_wait3A_184 = tpu.memref_slice %arg4[%mul3A_179, %dma_wait3A_183] : memref<819200x128xf32, #tpu.memory_space<hbm>> -> memref<128x64xf32, #tpu.memory_space<hbm>>
    %dma_wait3A_185 = arith.constant 0 : i32
    %dma_wait3A_186 = tpu.memref_slice %arg4[%mul3A_179, %dma_wait3A_185] : memref<819200x128xf32, #tpu.memory_space<hbm>> -> memref<128x64xf32, #tpu.memory_space<hbm>>
    %dma_wait3A_187 = arith.constant 384 : i32
    %dma_wait3A_188 = arith.constant 0 : i32
    %dma_wait3A_189 = tpu.memref_slice %arg6[%dma_wait3A_187, %dma_wait3A_188] : memref<512x128xf32, #tpu.memory_space<vmem>> -> memref<128x64xf32, #tpu.memory_space<vmem>>
    tpu.wait_dma2 semaphore(%arg14 : memref<!tpu.dma_semaphore, #tpu.memory_space<semaphore_mem>>) src(%dma_wait3A_189 : memref<128x64xf32, #tpu.memory_space<vmem>>) dst(%dma_wait3A_186 : memref<128x64xf32, #tpu.memory_space<hbm>>)
    return
  }
}

</mosaic_0001>

<sc_bundles>
// kernel: kernel.3.cloned.1.call-start
scs
__scs_entry_jumppad:
0x0: {  	(pc) =	sbr.rel $0x88, $3  }
0x1: {  	(tag) =	ssettag $0x0;
	lr =	simm.s32 $0x1  }
0x2: {  	[smem:$0x3F9F] =	sst lr;
	_ =	strace $0xD0000000  }
0x3: {  	_ = 	snop  }
0x4: {  	_ = 	snop  }
0x5: {  	_ = 	snop  }
0x6: {  	_ = 	snop  }
0x7: {  	_ = 	snop  }
__scs_overlays_trampoline_lowered:
0x8: {  	[smem:$0x3FAE] =	sst s0  }
0x9: {  	[smem:$0x3FAF] =	sst s1  }
0xa: {  	[smem:$0x3FB0] =	sst s2  }
0xb: {  	[smem:$0x3FB1] =	sst s3  }
0xc: {  	[smem:$0x3FB2] =	sst s4  }
0xd: {  	[smem:$0x3FB3] =	sst s5  }
0xe: {  	[smem:$0x3FB4] =	sst s6  }
0xf: {  	[smem:$0x3FB5] =	sst s7  }
0x10: {  	[smem:$0x3FB6] =	sst s8  }
0x11: {  	[smem:$0x3FB7] =	sst s9;
	s0 =	simm.s32 @!p0 $0x0  }
0x12: {  	s1 =	sld [smem:$0x3F9D];
	s0 =	simm.s32 @p0 $0x1  }
0x13: {  	[smem:$0x3FB8] =	sst s0;
	s0 =	simm.s32 @!p1 $0x0  }
0x14: {  	s2 =	sld [smem:$0x3F9C];
	s0 =	simm.s32 @p1 $0x1  }
0x15: {  	[smem:$0x3FB9] =	sst s0;
	s0 =	simm.s32 @!p2 $0x0  }
0x16: {  	s3 =	sld [smem:$0x3FDB];
	s0 =	simm.s32 @p2 $0x1  }
0x17: {  	s4 =	simm.s32 $0x1BF5;
	[smem:$0x3FBB] =	sst s0  }
0x18: {  	s0 =	sld [smem:$0x3F9E];
	_ =	swait.ge [sflag:s4], $0x0  }
0x19: {  	s7 =	sld [smem:$0x3F9F]  }
0x1a: {  	s8 =	sadd.s32 $0xFFFFE003, lr  }
0x1b: {  	s9 =	sadd.s32 $0xFFFFFEF7, lr;
	s5 =	simm.s32 $0xFFFFFFFF;
	p2 =	slt.u32 s8, $0xFFFFF086  }
0x1c: {  	p1 =	slt.u32 s9, $0xF7A;
	s5 =	simm.s32 @!p2 $0x0  }
0x1d: {  	s5 =	simm.s32 @p1 $0x1;
	p0 =	seq.s32 s7, s2  }
0x1e: {  	s7 =	smul.u32 @!p0 $0xF7A, s2;
	p2 =	seq.s32 @!p0 s5, $0x0  }
0x1f: {  	s9 =	smul.u32 $0xF7A, s1;
	s8 =	simm.s32 @!p0 $0x1BF5;
	p2 =	por !p2, p0  }
0x20: {  	[sflag:s8] =	ssyncset.s32 @!p0 $0xFFFFF086;
	s6 =	sadd.s32 @!p0 s3, s7;
	s7 =	simm.s32 @!p0 $0x108  }
0x21: {  	s3 =	sadd.s32 s3, s9;
	s6 =	sadd.s32 @!p0 $0x88, s6;
	s7 =	simm.s32 @p2 $0x1082  }
0x22: {  	[simem:s7], [sflag:s8] =	dma.local @!p0 [hbm:s6], $0xF7A  }
0x23: {  	s9 =	sor.u32 $0xD0000000, s2;
	s6 =	simm.s32 $0x108;
	_ =	swait.ge @!p0 [sflag:s8], $0x0  }
0x24: {  	s3 =	sadd.s32 $0x88, s3;
	s6 =	simm.s32 @!p1 $0x1082;
	[sflag:s4] =	ssyncset.s32 $0xFFFFF086  }
0x25: {  	[simem:s6], [sflag:s4] =	dma.local [hbm:s3], $0xF7A  }
0x26: {  	[smem:$0x3F9F] =	sst s1;
	(tag) =	ssettag s2;
	_ =	strace s9  }
0x27: {  	s1 =	sld [smem:$0x3FAF]  }
0x28: {  	s2 =	sld [smem:$0x3FB0]  }
0x29: {  	s4 =	sld [smem:$0x3FB2]  }
0x2a: {  	p0 =	seq.s32 s5, $0x0;
	s5 =	sld [smem:$0x3FB3]  }
0x2b: {  	s6 =	sld [smem:$0x3FB4]  }
0x2c: {  	s7 =	sld [smem:$0x3FB5]  }
0x2d: {  	s3 =	simm.s32 $0x108;
	s8 =	sld [smem:$0x3FB6]  }
0x2e: {  	s3 =	simm.s32 @!p0 $0x1082;
	s9 =	sld [smem:$0x3FB7]  }
0x2f: {  	lr =	sadd.s32 s0, s3;
	s0 =	sld [smem:$0x3FAE]  }
0x30: {  	s3 =	sld [smem:$0x3FB1]  }
0x31: {  	[smem:$0x3FBA] =	sst s10  }
0x32: {  	s10 =	sld [smem:$0x3FB8];
	_ =	sdelay $0x3  }
0x33: {  	p0 =	seq.s32 s10, $0x1;
	s10 =	sld [smem:$0x3FBA];
	_ =	sdelay $0x3  }
0x34: {  	[smem:$0x3FBA] =	sst s10  }
0x35: {  	s10 =	sld [smem:$0x3FB9];
	_ =	sdelay $0x3  }
0x36: {  	p1 =	seq.s32 s10, $0x1;
	s10 =	sld [smem:$0x3FBA];
	_ =	sdelay $0x3  }
0x37: {  	[smem:$0x3FBA] =	sst s10  }
0x38: {  	s10 =	sld [smem:$0x3FBB]  }
0x39: {  	_ = 	snop;
	(pc) =	sbr.ind lr, $3  }
0x3a: {  	_ = 	snop  }
0x3b: {  	_ = 	snop  }
0x3c: {  	p2 =	seq.s32 s10, $0x1;
	s10 =	sld [smem:$0x3FBA]  }
0x3d: {  	_ =	shalt  }
0x3e: {  	_ =	shalt  }
0x3f: {  	_ =	shalt  }
0x40: {  	_ =	shalt  }
0x41: {  	_ =	shalt  }
0x42: {  	_ =	shalt  }
0x43: {  	_ =	shalt  }
0x44: {  	_ =	shalt  }
0x45: {  	_ =	shalt  }
0x46: {  	_ =	shalt  }
0x47: {  	_ =	shalt  }
0x48: {  	_ =	shalt  }
0x49: {  	_ =	shalt  }
0x4a: {  	_ =	shalt  }
0x4b: {  	_ =	shalt  }
0x4c: {  	_ =	shalt  }
0x4d: {  	_ =	shalt  }
0x4e: {  	_ =	shalt  }
0x4f: {  	_ =	shalt  }
0x50: {  	_ =	shalt  }
0x51: {  	_ =	shalt  }
0x52: {  	_ =	shalt  }
0x53: {  	_ =	shalt  }
0x54: {  	_ =	shalt  }
0x55: {  	_ =	shalt  }
0x56: {  	_ =	shalt  }
0x57: {  	_ =	shalt  }
0x58: {  	_ =	shalt  }
0x59: {  	_ =	shalt  }
0x5a: {  	_ =	shalt  }
0x5b: {  	_ =	shalt  }
0x5c: {  	_ =	shalt  }
0x5d: {  	_ =	shalt  }
0x5e: {  	_ =	shalt  }
0x5f: {  	_ =	shalt  }
0x60: {  	_ =	shalt  }
0x61: {  	_ =	shalt  }
0x62: {  	_ =	shalt  }
0x63: {  	_ =	shalt  }
0x64: {  	_ =	shalt  }
0x65: {  	_ =	shalt  }
0x66: {  	_ =	shalt  }
0x67: {  	_ =	shalt  }
0x68: {  	_ =	shalt  }
0x69: {  	_ =	shalt  }
0x6a: {  	_ =	shalt  }
0x6b: {  	_ =	shalt  }
0x6c: {  	_ =	shalt  }
0x6d: {  	_ =	shalt  }
0x6e: {  	_ =	shalt  }
0x6f: {  	_ =	shalt  }
0x70: {  	_ =	shalt  }
0x71: {  	_ =	shalt  }
0x72: {  	_ =	shalt  }
0x73: {  	_ =	shalt  }
0x74: {  	_ =	shalt  }
0x75: {  	_ =	shalt  }
0x76: {  	_ =	shalt  }
0x77: {  	_ =	shalt  }
0x78: {  	_ =	shalt  }
0x79: {  	_ =	shalt  }
0x7a: {  	_ =	shalt  }
0x7b: {  	_ =	shalt  }
0x7c: {  	_ =	shalt  }
0x7d: {  	_ =	shalt  }
0x7e: {  	_ =	shalt  }
0x7f: {  	_ =	shalt  }
0x80: {  	_ =	shalt  }
0x81: {  	_ =	shalt  }
0x82: {  	_ =	shalt  }
0x83: {  	_ =	shalt  }
0x84: {  	_ =	shalt  }
0x85: {  	_ =	shalt  }
0x86: {  	_ =	shalt  }
0x87: {  	_ =	shalt  }
.Lfunc_end0:
.L_simem_size_0:
called_computation.1_lowered:
.L_overlay_start_0:
0x88: {  	s2 =	sld [smem:$0x3FD9]  }
0x89: {  	s3 =	sld [smem:$0x3FFE];
	_ =	sdelay $0x1  }
0x8a: {  	s1 =	srdreg.scid  }
0x8b: {  	s0 =	sand.u32 $0x1, s1  }
0x8c: {  	s17 =	sshll.u32 s0, $0xA;
	s2 =	sadd.s32 s3, s2  }
0x8d: {  	s2 =	sadd.s32 s2, s17  }
0x8e: {  	[smem:$0x3FC6] =	sst s2  }
0x8f: {  	_ = 	snop  }
0x90: {  	s2 =	sld [smem:$0x3FD0];
	(tm) =	ssettm $0x1  }
0x91: {  	s18 =	sld [smem:$0x3FFB];
	_ =	sdelay $0x3  }
0x92: {  	_ =	strace s18  }
0x93: {  	s3 =	sld [smem:$0x3FFC];
	_ =	sdelay $0x3  }
0x94: {  	_ =	strace s3  }
0x95: {  	s3 =	sld [smem:$0x3FFD];
	_ =	sdelay $0x3  }
0x96: {  	_ =	strace s3  }
0x97: {  	_ =	strace $0x8FFFFFFF  }
0x98: {  	s19 =	sld [smem:$0x3FDB];
	_ =	sdelay $0x1  }
0x99: {  	s4 =	simm.s32 $_scs_section_size  }
0x9a: {  	s5 =	simm.s32 $_size__tile_overlayer_lowered;
	s6 =	simm.s32 $_tile_overlayer_lowered  }
0x9b: {  	s22 =	simm.s32 $0x1BFF;
	s21 =	sshll.u32 s6, $0x1;
	s3 =	sadd.s32 s4, s19  }
0x9c: {  	s7 =	simm.s32 $0x0;
	s20 =	sshll.u32 s5, $0x1;
	s5 =	sadd.s32 s21, s3  }
0x9d: {  	[timem:s7], [sflag:s22] =	dma.local [hbm:s5], s20  }
0x9e: {  	_ =	swait.ge [sflag:s22], s20  }
0x9f: {  	s4 =	ssub.s32 $0x0, s20;
	[sflag:s22] =	ssyncset.done $0x0  }
0xa0: {  	[sflag:s22] =	ssyncadd.s32 s4;
	_ =	sdelay $0x1  }
0xa1: {  	s23 =	simm.s32 $0x1B8B  }
0xa2: {  	_ =	swait.ge [sflag:s23], $0x1  }
0xa3: {  	[sflag:s23] =	ssyncset.done $0x0  }
0xa4: {  	s25 =	simm.s32 $0x1B8E;
	s24 =	sld [smem:$0x3FFE];
	[sflag:s23] =	ssyncadd.s32 $0xFFFFFFFF  }
0xa5: {  	s26 =	simm.s32 $execute0_lowered;
	[smem:$0x3FD2] =	sst s25  }
0xa6: {  	s5 =	sshll.u32 s26, $0x1;
	_ =	strace $0x80000046;
	[dreg:$0x1] =	wrdreg $0xFFFFFFFF  }
0xa7: {  	s28 =	simm.s32 $_size_execute0_lowered;
	s3 =	sadd.s32 s3, s5;
	[dreg:$0x0] =	wrdreg $0x0  }
0xa8: {  	s5 =	sshll.u32 s28, $0x1;
	[dreg:$0x2] =	wrdreg s3  }
0xa9: {  	[dreg:$0x3] =	wrdreg s5  }
0xaa: {  	[dreg:$0x4] =	wrdreg $0xC0  }
0xab: {  	_ =	task [dreg:s7], $0x5FFFF  }
0xac: {  	[dreg:$0x1] =	wrdreg $0xFFFFFFFF  }
0xad: {  	[dreg:$0x0] =	wrdreg $0x60  }
0xae: {  	[dreg:$0x2] =	wrdreg s2  }
0xaf: {  	[dreg:$0x3] =	wrdreg s24  }
0xb0: {  	[dreg:$0x4] =	wrdreg $0x9  }
0xb1: {  	_ =	task.clear_ibuf [dreg:s7], $0x5FFFF;
	_ =	strace $0x90000046  }
0xb2: {  	s29 =	simm.s32 $0x9;
	_ =	strace $0x80000048  }
0xb3: {  	_ =	swait.ge [sflag:s29], $0x1  }
0xb4: {  	[sflag:s29] =	ssyncadd.s32 $0xFFFFFFFF  }
0xb5: {  	_ =	strace $0x90000048  }
0xb6: {  	_ =	sfence  }
0xb7: {  	s30 =	sld [smem:$0x0];
	_ =	sdelay $0x2  }
0xb8: {  	s31 =	sshll.u32 s1, $0xD;
	s1 =	sshrl.u32 s1, $0x2  }
0xb9: {  	s3 =	sand.u32 $0x4000, s31;
	s1 =	sadd.s32 s1, s30  }
0xba: {  	s0 =	sor.u32 s3, s0;
	s1 =	sshll.u32 s1, $0x11  }
0xbb: {  	s0 =	sor.u32 s1, s0  }
0xbc: {  	s0 =	sadd.s32 $0x8F2B, s0  }
0xbd: {  	[sflag:s0] =	ssyncadd.remote.s32 $0x1  }
0xbe: {  	_ =	sfence.sel $0xFFFF  }
0xbf: {  	[dreg:$0x0] =	wrdreg $0xFFFFFFFF;
	(pc) =	sbr.abs _section_cstart, $3  }
0xc0: {  	[dreg:$0x1] =	wrdreg $0xFFFFFFFF  }
0xc1: {  	_ =	task.clear_ibuf [dreg:s7], $0x2FFFF;
	_ =	strace $0x9FFFFFFF  }
0xc2: {  	(tm) =	ssettm $0x7FFFFFFF  }
0xc3: {  	_ =	shalt  }
tec
execute0_lowered:
.L_overlay_start_1:
0x0: {  	(tag) =	ssettag $0x1  }
0x1: {  	s0 =	rddreg [dreg:$0x0];
	s1 =	srdreg.scid  }
0x2: {  	s2 =	stileid.u32;
	s5 =	rddreg [dreg:$0x1];
	s16 =	simm.s32 $0x80  }
0x3: {  	s18 =	simm.s32 $0xA400;
	s20 =	simm.s32 $0xE400;
	s22 =	simm.s32 $0x12400  }
0x4: {  	s23 =	simm.s32 $0x1;
	s1 =	sand.u32 $0x1, s1;
	s3 =	sshll.u32 s2, $0x1  }
0x5: {  	s28 =	simm.s32 $0x3;
	s29 =	simm.s32 $0x7;
	s6 =	sor.u32 s1, s3  }
0x6: {  	s30 =	simm.s32 $0x4;
	s31 =	simm.s32 $0x8;
	s3 =	smul.u32 $0xC8, s6  }
0x7: {  	s2 =	simm.s32 $0x0;
	s4 =	sadd.s32 $0xF42E00, s5;
	s7 =	smul.u32 $0x320000, s6  }
0x8: {  	[smem:$0x7FF] =	sst s2;
	s1 =	ssub.s32 $0x2, s1;
	s6 =	smul.u32 $0xC80, s6  }
0x9: {  	s5 =	sadd.s32 $0xA00, s5;
	_ =	strace $0x80000047;
	s8 =	sshrl.u32 s1, $0x1  }
0xa: {  	s1 =	ssub.s32 s1, s8;
	s24 =	sshrl.u32 s7, $0x3;
	s0 =	sadd.s32 s0, s6  }
0xb: {  	s7 =	sor.u32 $0x1, s3;
	s8 =	sor.u32 $0x2, s3;
	s9 =	sor.u32 $0x3, s3  }
0xc: {  	s26 =	smax.u32 s1, $0x1;
	s1 =	simm.s32 $0x0;
	[dreg:$0x3] =	wrdreg s0  }
0xd: {  	s25 =	sadd.s32 s5, s24;
	[dreg:$0x4] =	wrdreg s26;
	s24 =	simm.s32 $0x5  }
0xe: {  	s26 =	simm.s32 $0x6;
	s10 =	sadd.s32 $0x62000, s25;
	s11 =	sadd.s32 $0x62800, s25  }
0xf: {  	s12 =	sadd.s32 $0x63000, s25;
	s13 =	sadd.s32 $0x63800, s25;
	s25 =	simm.s32 $0x2  }
.LBB2_1:
0x10: {  	[dreg:$0x5] =	wrdreg s1  }
0x11: {  	s0 =	rddreg [dreg:$0x3];
	s15 =	simm.s32 $0x9  }
0x12: {  	[tilespmem:s2], [sflag:$0x9] =	stream.linear.gather [hbm4b:s0+s2], $0x6400, $0x38;
	[tilespmem:$0x16400] =	vst v63  }
0x13: {  	_ =	swait.ge [sflag:s15], $0x6400  }
0x14: {  	[sflag:s15] =	ssyncset.done $0x0  }
0x15: {  	s17 =	simm.s32 $0x6400;
	[sflag:s15] =	ssyncadd.s32 $0xFFFF9C00  }
0x16: {  	[tilespmem:s17], [sflag:$0x1] =	stream.indirect.gather [hbm4b:s4+s16], $0x80, s2, s16, $0xb8;
	[tilespmem:$0x16400] =	vst v63  }
0x17: {  	_ = 	snop  }
0x18: {  	[tilespmem:s18], [sflag:$0x2] =	stream.indirect.gather [hbm4b:s4+s16], $0x80, s16, s16, $0xb8;
	[tilespmem:$0x16400] =	vst v63  }
0x19: {  	s19 =	simm.s32 $0x100  }
0x1a: {  	[tilespmem:s20], [sflag:$0x3] =	stream.indirect.gather [hbm4b:s4+s16], $0x80, s19, s16, $0xb8;
	[tilespmem:$0x16400] =	vst v63  }
0x1b: {  	s21 =	simm.s32 $0x180;
	s0 =	simm.s32 $0x0  }
0x1c: {  	[tilespmem:s22], [sflag:$0x4] =	stream.indirect.gather [hbm4b:s4+s16], $0x80, s21, s16, $0xb8;
	[tilespmem:$0x16400] =	vst v63  }
.LBB2_2:
0x1d: {  	s19 =	sshll.u32 s0, $0x2  }
0x1e: {  	s1 =	sadd.s32 s3, s19  }
0x1f: {  	_ =	swait.ge [sflag:s23], $0x4000;
	s6 =	simm.s32 $0x6400;
	s1 =	sshll.u32 s1, $0xB  }
0x20: {  	s14 =	simm.s32 $0x10;
	[sflag:s23] =	ssyncset.done $0x0;
	s21 =	sadd.s32 s5, s1  }
0x21: {  	s15 =	simm.s32 $0x6480;
	[sflag:s23] =	ssyncadd.s32 $0xFFFFC000;
	s1 =	sadd.s32 $0x0, s21  }
.LBB2_3:
0x22: {  	[hbm4b:s1+s2] =	stream.linear.scatter [tilespmem:s6], [sflag:$0x5], $0x40, $0x38;
	[tilespmem:$0x16400] =	vst v63  }
0x23: {  	s1 =	smov.u32 s14;
	s6 =	smov.u32 s15;
	p0 =	sne.s32 s14, $0x7F0  }
.Ltmp0:
0x24: {  	s14 =	sadd.s32 $0x10, s14;
	(pc) =	sbr.rel @p0 .LBB2_3-.Ltmp0, $2  }
0x25: {  	_ =	sdelay $0x2  }
0x26: {  	s15 =	sadd.s32 $0x80, s15;
	s1 =	sadd.s32 s1, s21  }
0x27: {  	[hbm4b:s1+s2] =	stream.linear.scatter [tilespmem:s6], [sflag:$0x5], $0x40, $0x38;
	[tilespmem:$0x16400] =	vst v63  }
0x28: {  	s14 =	sshll.u32 s0, $0x9;
	_ =	swait.ge [sflag:s24], $0x2000  }
0x29: {  	s15 =	simm.s32 $0x6400;
	s21 =	sand.u32 $0x3FFFFE00, s14;
	[sflag:s24] =	ssyncset.done $0x0  }
0x2a: {  	s17 =	sadd.s32 s19, s7;
	s1 =	sadd.s32 $0x200, s21;
	[sflag:s24] =	ssyncadd.s32 $0xFFFFE000  }
0x2b: {  	[tilespmem:s15], [sflag:$0x1] =	stream.indirect.gather [hbm4b:s4+s16], $0x80, s1, s16, $0xb8;
	[tilespmem:$0x16400] =	vst v63  }
0x2c: {  	s1 =	sshll.u32 s17, $0xB  }
0x2d: {  	s14 =	simm.s32 $0xA400;
	_ =	swait.ge [sflag:s25], $0x4000;
	s1 =	sand.u32 $0x1FFFE800, s1  }
0x2e: {  	s15 =	simm.s32 $0x10;
	[sflag:s25] =	ssyncset.done $0x0;
	s6 =	sadd.s32 s5, s1  }
0x2f: {  	s1 =	simm.s32 $0xA480;
	[sflag:s25] =	ssyncadd.s32 $0xFFFFC000;
	s17 =	sadd.s32 $0x0, s6  }
.LBB2_5:
0x30: {  	[hbm4b:s17+s2] =	stream.linear.scatter [tilespmem:s14], [sflag:$0x6], $0x40, $0x38;
	[tilespmem:$0x16400] =	vst v63  }
0x31: {  	s17 =	smov.u32 s15;
	s14 =	smov.u32 s1;
	p0 =	sne.s32 s15, $0x7F0  }
.Ltmp1:
0x32: {  	s15 =	sadd.s32 $0x10, s15;
	(pc) =	sbr.rel @p0 .LBB2_5-.Ltmp1, $2  }
0x33: {  	_ =	sdelay $0x2  }
0x34: {  	s1 =	sadd.s32 $0x80, s1;
	s17 =	sadd.s32 s17, s6  }
0x35: {  	[hbm4b:s17+s2] =	stream.linear.scatter [tilespmem:s14], [sflag:$0x6], $0x40, $0x38;
	[tilespmem:$0x16400] =	vst v63  }
0x36: {  	_ =	swait.ge [sflag:s26], $0x2000  }
0x37: {  	[sflag:s26] =	ssyncset.done $0x0  }
0x38: {  	s1 =	sadd.s32 $0x280, s21;
	s17 =	sadd.s32 s19, s8;
	[sflag:s26] =	ssyncadd.s32 $0xFFFFE000  }
0x39: {  	[tilespmem:s18], [sflag:$0x2] =	stream.indirect.gather [hbm4b:s4+s16], $0x80, s1, s16, $0xb8;
	[tilespmem:$0x16400] =	vst v63  }
0x3a: {  	s1 =	sshll.u32 s17, $0xB  }
0x3b: {  	s14 =	simm.s32 $0xE400;
	_ =	swait.ge [sflag:s28], $0x4000;
	s1 =	sand.u32 $0x1FFFF000, s1  }
0x3c: {  	s15 =	simm.s32 $0x10;
	[sflag:s28] =	ssyncset.done $0x0;
	s6 =	sadd.s32 s5, s1  }
0x3d: {  	s1 =	simm.s32 $0xE480;
	[sflag:s28] =	ssyncadd.s32 $0xFFFFC000;
	s17 =	sadd.s32 $0x0, s6  }
.LBB2_7:
0x3e: {  	[hbm4b:s17+s2] =	stream.linear.scatter [tilespmem:s14], [sflag:$0x7], $0x40, $0x38;
	[tilespmem:$0x16400] =	vst v63  }
0x3f: {  	s17 =	smov.u32 s15;
	s14 =	smov.u32 s1;
	p0 =	sne.s32 s15, $0x7F0  }
.Ltmp2:
0x40: {  	s15 =	sadd.s32 $0x10, s15;
	(pc) =	sbr.rel @p0 .LBB2_7-.Ltmp2, $2  }
0x41: {  	_ =	sdelay $0x2  }
0x42: {  	s1 =	sadd.s32 $0x80, s1;
	s17 =	sadd.s32 s17, s6  }
0x43: {  	[hbm4b:s17+s2] =	stream.linear.scatter [tilespmem:s14], [sflag:$0x7], $0x40, $0x38;
	[tilespmem:$0x16400] =	vst v63  }
0x44: {  	_ =	swait.ge [sflag:s29], $0x2000  }
0x45: {  	[sflag:s29] =	ssyncset.done $0x0  }
0x46: {  	s1 =	sadd.s32 $0x300, s21;
	s19 =	sadd.s32 s19, s9;
	[sflag:s29] =	ssyncadd.s32 $0xFFFFE000  }
0x47: {  	[tilespmem:s20], [sflag:$0x3] =	stream.indirect.gather [hbm4b:s4+s16], $0x80, s1, s16, $0xb8;
	[tilespmem:$0x16400] =	vst v63  }
0x48: {  	s1 =	sshll.u32 s19, $0xB  }
0x49: {  	s14 =	simm.s32 $0x12400;
	_ =	swait.ge [sflag:s30], $0x4000;
	s1 =	sand.u32 $0x1FFFF800, s1  }
0x4a: {  	s15 =	simm.s32 $0x10;
	[sflag:s30] =	ssyncset.done $0x0;
	s6 =	sadd.s32 s5, s1  }
0x4b: {  	s1 =	simm.s32 $0x12480;
	[sflag:s30] =	ssyncadd.s32 $0xFFFFC000;
	s17 =	sadd.s32 $0x0, s6  }
.LBB2_9:
0x4c: {  	[hbm4b:s17+s2] =	stream.linear.scatter [tilespmem:s14], [sflag:$0x8], $0x40, $0x38;
	[tilespmem:$0x16400] =	vst v63  }
0x4d: {  	s17 =	smov.u32 s15;
	s14 =	smov.u32 s1;
	p0 =	sne.s32 s15, $0x7F0  }
.Ltmp3:
0x4e: {  	s15 =	sadd.s32 $0x10, s15;
	(pc) =	sbr.rel @p0 .LBB2_9-.Ltmp3, $2  }
0x4f: {  	_ =	sdelay $0x2  }
0x50: {  	s1 =	sadd.s32 $0x80, s1;
	s17 =	sadd.s32 s17, s6  }
0x51: {  	[hbm4b:s17+s2] =	stream.linear.scatter [tilespmem:s14], [sflag:$0x8], $0x40, $0x38;
	[tilespmem:$0x16400] =	vst v63  }
0x52: {  	s0 =	sadd.s32 $0x1, s0  }
0x53: {  	p0 =	sne.s32 s0, $0x31  }
.Ltmp4:
0x54: {  	_ = 	snop;
	(pc) =	sbr.rel @p0 .LBB2_2-.Ltmp4, $4  }
0x55: {  	_ =	swait.ge [sflag:s31], $0x2000  }
0x56: {  	[sflag:s31] =	ssyncset.done $0x0  }
0x57: {  	s1 =	sadd.s32 $0x380, s21;
	[sflag:s31] =	ssyncadd.s32 $0xFFFFE000  }
0x58: {  	[tilespmem:s22], [sflag:$0x4] =	stream.indirect.gather [hbm4b:s4+s16], $0x80, s1, s16, $0xb8;
	[tilespmem:$0x16400] =	vst v63  }
0x59: {  	_ =	swait.ge [sflag:s23], $0x4000  }
0x5a: {  	s0 =	simm.s32 $0x6400;
	s6 =	simm.s32 $0x10;
	[sflag:s23] =	ssyncset.done $0x0  }
0x5b: {  	s14 =	sadd.s32 $0x0, s10;
	s1 =	simm.s32 $0x6480;
	[sflag:s23] =	ssyncadd.s32 $0xFFFFC000  }
.LBB2_12:
0x5c: {  	[hbm4b:s14+s2] =	stream.linear.scatter [tilespmem:s0], [sflag:$0x5], $0x40, $0x38;
	[tilespmem:$0x16400] =	vst v63  }
0x5d: {  	s14 =	smov.u32 s6;
	s0 =	smov.u32 s1;
	p0 =	sne.s32 s6, $0x7F0  }
.Ltmp5:
0x5e: {  	s6 =	sadd.s32 $0x10, s6;
	(pc) =	sbr.rel @p0 .LBB2_12-.Ltmp5, $2  }
0x5f: {  	_ =	sdelay $0x2  }
0x60: {  	s1 =	sadd.s32 $0x80, s1;
	s14 =	sadd.s32 s14, s10  }
0x61: {  	[hbm4b:s14+s2] =	stream.linear.scatter [tilespmem:s0], [sflag:$0x5], $0x40, $0x38;
	[tilespmem:$0x16400] =	vst v63  }
0x62: {  	_ =	swait.ge [sflag:s25], $0x4000  }
0x63: {  	s0 =	simm.s32 $0xA400;
	s6 =	simm.s32 $0x10;
	[sflag:s25] =	ssyncset.done $0x0  }
0x64: {  	s14 =	sadd.s32 $0x0, s11;
	s1 =	simm.s32 $0xA480;
	[sflag:s25] =	ssyncadd.s32 $0xFFFFC000  }
.LBB2_14:
0x65: {  	[hbm4b:s14+s2] =	stream.linear.scatter [tilespmem:s0], [sflag:$0x6], $0x40, $0x38;
	[tilespmem:$0x16400] =	vst v63  }
0x66: {  	s14 =	smov.u32 s6;
	s0 =	smov.u32 s1;
	p0 =	sne.s32 s6, $0x7F0  }
.Ltmp6:
0x67: {  	s6 =	sadd.s32 $0x10, s6;
	(pc) =	sbr.rel @p0 .LBB2_14-.Ltmp6, $2  }
0x68: {  	_ =	sdelay $0x2  }
0x69: {  	s1 =	sadd.s32 $0x80, s1;
	s14 =	sadd.s32 s14, s11  }
0x6a: {  	[hbm4b:s14+s2] =	stream.linear.scatter [tilespmem:s0], [sflag:$0x6], $0x40, $0x38;
	[tilespmem:$0x16400] =	vst v63  }
0x6b: {  	_ =	swait.ge [sflag:s28], $0x4000  }
0x6c: {  	s0 =	simm.s32 $0xE400;
	s6 =	simm.s32 $0x10;
	[sflag:s28] =	ssyncset.done $0x0  }
0x6d: {  	s14 =	sadd.s32 $0x0, s12;
	s1 =	simm.s32 $0xE480;
	[sflag:s28] =	ssyncadd.s32 $0xFFFFC000  }
.LBB2_16:
0x6e: {  	[hbm4b:s14+s2] =	stream.linear.scatter [tilespmem:s0], [sflag:$0x7], $0x40, $0x38;
	[tilespmem:$0x16400] =	vst v63  }
0x6f: {  	s14 =	smov.u32 s6;
	s0 =	smov.u32 s1;
	p0 =	sne.s32 s6, $0x7F0  }
.Ltmp7:
0x70: {  	s6 =	sadd.s32 $0x10, s6;
	(pc) =	sbr.rel @p0 .LBB2_16-.Ltmp7, $2  }
0x71: {  	_ =	sdelay $0x2  }
0x72: {  	s1 =	sadd.s32 $0x80, s1;
	s14 =	sadd.s32 s14, s12  }
0x73: {  	[hbm4b:s14+s2] =	stream.linear.scatter [tilespmem:s0], [sflag:$0x7], $0x40, $0x38;
	[tilespmem:$0x16400] =	vst v63  }
0x74: {  	_ =	swait.ge [sflag:s30], $0x4000  }
0x75: {  	s0 =	simm.s32 $0x12400;
	s6 =	simm.s32 $0x10;
	[sflag:s30] =	ssyncset.done $0x0  }
0x76: {  	s14 =	sadd.s32 $0x0, s13;
	s1 =	simm.s32 $0x12480;
	[sflag:s30] =	ssyncadd.s32 $0xFFFFC000  }
.LBB2_18:
0x77: {  	[hbm4b:s14+s2] =	stream.linear.scatter [tilespmem:s0], [sflag:$0x8], $0x40, $0x38;
	[tilespmem:$0x16400] =	vst v63  }
0x78: {  	s14 =	smov.u32 s6;
	s0 =	smov.u32 s1;
	p0 =	sne.s32 s6, $0x7F0  }
.Ltmp8:
0x79: {  	s6 =	sadd.s32 $0x10, s6;
	(pc) =	sbr.rel @p0 .LBB2_18-.Ltmp8, $2  }
0x7a: {  	_ =	sdelay $0x2  }
0x7b: {  	s1 =	sadd.s32 $0x80, s1;
	s14 =	sadd.s32 s14, s13  }
0x7c: {  	[hbm4b:s14+s2] =	stream.linear.scatter [tilespmem:s0], [sflag:$0x8], $0x40, $0x38;
	[tilespmem:$0x16400] =	vst v63  }
0x7d: {  	_ =	swait.ge [sflag:s24], $0x2000  }
0x7e: {  	[sflag:s24] =	ssyncset.done $0x0  }
0x7f: {  	[sflag:s24] =	ssyncadd.s32 $0xFFFFE000  }
0x80: {  	_ =	swait.ge [sflag:s26], $0x2000  }
0x81: {  	[sflag:s26] =	ssyncset.done $0x0  }
0x82: {  	[sflag:s26] =	ssyncadd.s32 $0xFFFFE000  }
0x83: {  	_ =	swait.ge [sflag:s29], $0x2000  }
0x84: {  	[sflag:s29] =	ssyncset.done $0x0  }
0x85: {  	[sflag:s29] =	ssyncadd.s32 $0xFFFFE000  }
0x86: {  	_ =	swait.ge [sflag:s31], $0x2000  }
0x87: {  	s1 =	rddreg [dreg:$0x5]  }
0x88: {  	s21 =	rddreg [dreg:$0x4];
	s1 =	sadd.s32 $0x1, s1  }
0x89: {  	p0 =	sne.s32 s1, s21  }
.Ltmp9:
0x8a: {  	_ = 	snop;
	(pc) =	sbr.rel @p0 .LBB2_1-.Ltmp9, $3  }
0x8b: {  	_ =	sdelay $0x1  }
0x8c: {  	[sflag:s31] =	ssyncset.done $0x0  }
0x8d: {  	[sflag:s31] =	ssyncadd.s32 $0xFFFFE000  }
0x8e: {  	_ =	sfence.sel $0x180000  }
0x8f: {  	[bflag:$0x0] =	sbarrier.arrive $0xFFFF  }
0x90: {  	_ =	strace $0x90000047  }
0x91: {  	s0 =	stileid.u32;
	[bflag:$0x2] =	sbarrier.arrive $0xFFFF  }
0x92: {  	p0 =	sne.s32 s0, $0x0;
	s0 =	rddreg [dreg:$0x2]  }
0x93: {  	s0 =	sadd.s32 @!p0 $0x100000, s0  }
0x94: {  	[sflag:s0] =	ssyncadd.tile.s32 @!p0 $0x1;
	_ =	shalt  }
.Lfunc_end2:
_tile_overlayer_lowered:
.L_overlay_start_2:
0x95: {  	(tag) =	ssettag $0x2  }
0x96: {  	s0 =	rddreg [dreg:$0x0];
	s2 =	stileid.u32  }
0x97: {  	s1 =	rddreg [dreg:$0x1];
	p0 =	sne.s32 s2, $0x0  }
0x98: {  	s3 =	rddreg [dreg:$0x2];
	[bflag:$0x3] =	sbarrier.arrive $0xFFFF;
	s2 =	simm.s32 @!p0 $0x1C09  }
0x99: {  	[timem:s3], [sflag:s2] =	dma.local @!p0 [hbm:s0], s1  }
0x9a: {  	s0 =	simm.s32 @!p0 $0x9  }
0x9b: {  	_ =	swait.ge @!p0 [sflag:s0], s1  }
0x9c: {  	s1 =	ssub.s32 @!p0 $0x0, s1;
	[sflag:s0] =	ssyncset.done @!p0 $0x0  }
0x9d: {  	[sflag:s0] =	ssyncadd.s32 @!p0 s1  }
0x9e: {  	[bflag:$0x3] =	sbarrier.arrive $0xFFFF  }
0x9f: {  	_ =	shalt  }

// kernel: sparse-core-data-format-call.cloned.1.call-start
scs
called_computation_lowered:
.L_overlay_start_0:
0x0: {  	s2 =	sld [smem:$0x3FD9]  }
0x1: {  	s3 =	sld [smem:$0x3FFE];
	_ =	sdelay $0x1  }
0x2: {  	s1 =	srdreg.scid  }
0x3: {  	s0 =	sand.u32 $0x1, s1  }
0x4: {  	s18 =	sshll.u32 s0, $0xA;
	s2 =	sadd.s32 s3, s2  }
0x5: {  	s2 =	sadd.s32 s2, s18  }
0x6: {  	[smem:$0x3FC6] =	sst s2  }
0x7: {  	_ = 	snop  }
0x8: {  	s2 =	sld [smem:$0x3FD0];
	(tm) =	ssettm $0x1  }
0x9: {  	s19 =	sld [smem:$0x3FFB];
	_ =	sdelay $0x3  }
0xa: {  	_ =	strace s19  }
0xb: {  	s3 =	sld [smem:$0x3FFC];
	_ =	sdelay $0x3  }
0xc: {  	_ =	strace s3  }
0xd: {  	s3 =	sld [smem:$0x3FFD];
	_ =	sdelay $0x3  }
0xe: {  	_ =	strace s3  }
0xf: {  	_ =	strace $0x8FFFFFFF  }
0x10: {  	s20 =	sld [smem:$0x3FDB];
	_ =	sdelay $0x1  }
0x11: {  	s4 =	simm.s32 $_scs_section_size  }
0x12: {  	s5 =	simm.s32 $_size__tile_overlayer_lowered;
	s6 =	simm.s32 $_tile_overlayer_lowered  }
0x13: {  	s23 =	simm.s32 $0x1BFF;
	s22 =	sshll.u32 s6, $0x1;
	s3 =	sadd.s32 s4, s20  }
0x14: {  	s7 =	simm.s32 $0x0;
	s21 =	sshll.u32 s5, $0x1;
	s5 =	sadd.s32 s22, s3  }
0x15: {  	[timem:s7], [sflag:s23] =	dma.local [hbm:s5], s21  }
0x16: {  	_ =	swait.ge [sflag:s23], s21  }
0x17: {  	s4 =	ssub.s32 $0x0, s21;
	[sflag:s23] =	ssyncset.done $0x0  }
0x18: {  	[sflag:s23] =	ssyncadd.s32 s4;
	_ =	sdelay $0x1  }
0x19: {  	s24 =	simm.s32 $0x1B8B  }
0x1a: {  	_ =	swait.ge [sflag:s24], $0x1  }
0x1b: {  	[sflag:s24] =	ssyncset.done $0x0  }
0x1c: {  	s26 =	simm.s32 $0x1B8E;
	s25 =	sld [smem:$0x3FFE];
	[sflag:s24] =	ssyncadd.s32 $0xFFFFFFFF  }
0x1d: {  	s27 =	simm.s32 $execute0_lowered;
	[smem:$0x3FD2] =	sst s26  }
0x1e: {  	s5 =	sshll.u32 s27, $0x1;
	_ =	strace $0x80000049;
	[dreg:$0x1] =	wrdreg $0xFFFFFFFF  }
0x1f: {  	s28 =	simm.s32 $_size_execute0_lowered;
	s3 =	sadd.s32 s3, s5;
	[dreg:$0x0] =	wrdreg $0x0  }
0x20: {  	s5 =	sshll.u32 s28, $0x1;
	[dreg:$0x2] =	wrdreg s3  }
0x21: {  	[dreg:$0x3] =	wrdreg s5  }
0x22: {  	[dreg:$0x4] =	wrdreg $0xC0  }
0x23: {  	_ =	task [dreg:s7], $0x5FFFF  }
0x24: {  	[dreg:$0x1] =	wrdreg $0xFFFFFFFF  }
0x25: {  	[dreg:$0x0] =	wrdreg $0x60  }
0x26: {  	[dreg:$0x2] =	wrdreg s25  }
0x27: {  	[dreg:$0x3] =	wrdreg s2  }
0x28: {  	[dreg:$0x4] =	wrdreg $0x9  }
0x29: {  	_ =	task.clear_ibuf [dreg:s7], $0x5FFFF;
	_ =	strace $0x90000049  }
0x2a: {  	s29 =	simm.s32 $0x9;
	_ =	strace $0x8000004B  }
0x2b: {  	_ =	swait.ge [sflag:s29], $0x1  }
0x2c: {  	[sflag:s29] =	ssyncadd.s32 $0xFFFFFFFF  }
0x2d: {  	_ =	strace $0x9000004B  }
0x2e: {  	_ =	sfence  }
0x2f: {  	s30 =	sld [smem:$0x0];
	_ =	sdelay $0x2  }
0x30: {  	s31 =	sshll.u32 s1, $0xD;
	s1 =	sshrl.u32 s1, $0x2  }
0x31: {  	s3 =	sand.u32 $0x4000, s31;
	s1 =	sadd.s32 s1, s30  }
0x32: {  	s0 =	sor.u32 s3, s0;
	s1 =	sshll.u32 s1, $0x11  }
0x33: {  	s0 =	sor.u32 s1, s0  }
0x34: {  	s0 =	sadd.s32 $0x8F2B, s0  }
0x35: {  	[sflag:s0] =	ssyncadd.remote.s32 $0x1  }
0x36: {  	_ =	sfence.sel $0xFFFF  }
0x37: {  	[dreg:$0x0] =	wrdreg $0xFFFFFFFF;
	(pc) =	sbr.abs _section_cstart, $3  }
0x38: {  	[dreg:$0x1] =	wrdreg $0xFFFFFFFF  }
0x39: {  	_ =	task.clear_ibuf [dreg:s7], $0x2FFFF;
	_ =	strace $0x9FFFFFFF  }
0x3a: {  	(tm) =	ssettm $0x7FFFFFFF  }
0x3b: {  	_ =	shalt  }
tec
execute0_lowered:
.L_overlay_start_1:
0x0: {  	(tag) =	ssettag $0x1  }
0x1: {  	s0 =	srdreg.scid  }
0x2: {  	s1 =	sshll.u32 s0, $0x4  }
0x3: {  	s0 =	stileid.u32;
	s1 =	sand.u32 $0x10, s1  }
0x4: {  	s1 =	sor.u32 s0, s1  }
0x5: {  	s6 =	rddreg [dreg:$0x0];
	s4 =	simm.s32 $0x1;
	s2 =	sshll.u32 s1, $0x7  }
0x6: {  	s7 =	simm.s32 $0x2;
	s12 =	simm.s32 $0x0;
	s1 =	ssub.s32 $0x1000, s2  }
0x7: {  	s8 =	simm.s32 $0x8000;
	s13 =	simm.s32 $0x0;
	s3 =	sand.u32 $0xF80, s1  }
0x8: {  	s9 =	simm.s32 $0x0;
	s5 =	sshrl.u32 s1, $0xC;
	p0 =	sne.s32 s3, $0x0  }
.Ltmp0:
0x9: {  	s1 =	rddreg [dreg:$0x2];
	s4 =	simm.s32 @!p0 $0x0;
	(pc) =	sbr.rel .LBB1_1-.Ltmp0, $4  }
0xa: {  	s11 =	simm.s32 $0x0;
	s3 =	rddreg [dreg:$0x1];
	s5 =	sadd.s32 s4, s5  }
0xb: {  	_ =	strace $0x8000004A;
	s4 =	simm.s32 $0x1;
	s5 =	smul.u32 $0xC8, s5  }
0xc: {  	s6 =	sadd.s32 $0xA00, s6;
	s10 =	smov.u32 s2;
	[sflag:s4] =	ssyncpa.u1 $0x0  }
0xd: {  	p0 =	por $0x0, $0x0;
	[sflag:s7] =	ssyncpa.u1 $0x0;
	s7 =	sor.u32 $0x1, s5  }
.LBB1_4:
0xe: {  	s16 =	sshll.u32 s13, $0x3;
	s17 =	sand.u32 $0x78, s13  }
0xf: {  	s30 =	sand.u32 $0x7E00, s13;
	s12 =	sshll.u32 s12, $0xF;
	s16 =	sand.u32 $0xC00, s16  }
0x10: {  	[tilespmem:s15+$0x810 ss:$0x81] =	vst.msk $0xffff, v2;
	s31 =	sand.u32 $0x7, s13;
	s16 =	sor.u32 s17, s16;
	s17 =	sadd.s32 s3, s30  }
0x11: {  	[tilespmem:s15+$0x1020 ss:$0x81] =	vst.msk $0xffff, v0;
	s13 =	sshll.u32 s31, $0x12;
	s12 =	sadd.s32 s12, s17;
	s16 =	sshrl.u32 s16, $0x3  }
0x12: {  	[tilespmem:s15+$0x0 ss:$0x81] =	vst.msk $0xffff, v1;
	s13 =	sor.u32 $0x400, s13;
	s12 =	sadd.s32 s16, s12  }
0x13: {  	[hbm4b:s12+s13] =	stream.strided.scatter [tilespmem:s14], [sflag:$0x2], $0x2000, s8, s13, $0x20;
	[tilespmem:$0x8080] =	vst v63  }
.LBB1_5:
0x14: {  	s14 =	sadd.s32 $0x1, s9  }
0x15: {  	s12 =	sadd.s32 $0x1000, s10;
	s16 =	smov.u32 s10;
	p2 =	sgt.s32 s14, $0xC7  }
0x16: {  	s16 =	smov.u32 @p2 s12  }
0x17: {  	s14 =	simm.s32 @p2 $0x0;
	p2 =	sgt.s32 s16, $0xFFF  }
0x18: {  	s16 =	smov.u32 @p2 s2;
	p2 =	sne.s32 s11, s7  }
.Ltmp1:
0x19: {  	p1 =	slt.u32 s11, $0x2;
	(pc) =	sbr.rel @!p2 .LBB1_6-.Ltmp1, $4  }
0x1a: {  	s15 =	simm.s32 @!p1 $0x2  }
0x1b: {  	s13 =	smov.u32 s10;
	p0 =	por !p0, !p0;
	_ =	swait.ge @!p1 [sflag:s15], $0x2000  }
0x1c: {  	s12 =	smov.u32 s9;
	[sflag:s15] =	ssyncset.done @!p1 $0x0;
	s9 =	smov.u32 s14  }
0x1d: {  	s11 =	sadd.s32 $0x1, s11;
	[sflag:s15] =	ssyncadd.s32 @!p1 $0xFFFFE000;
	s10 =	smov.u32 s16  }
.LBB1_1:
0x1e: {  	p1 =	sge.u32 s11, s5  }
0x1f: {  	s14 =	sand.u32 @!p1 $0x1FFFFFF, s9  }
0x20: {  	s15 =	smulhi.u32 @!p1 $0x147AE15, s14;
	_ =	sdelay $0x1  }
0x21: {  	s15 =	smul.u32 @!p1 $0xC8, s15  }
0x22: {  	s16 =	sxor.u32 @!p1 $0xFFFFFFFF, s11;
	s17 =	smul.u32 @!p1 $0xC80, s10  }
0x23: {  	s31 =	sadd.s32 $0xFFFFFFFF, s11;
	s16 =	sshll.u32 @!p1 s16, $0xD;
	s14 =	ssub.s32 @!p1 s14, s15  }
0x24: {  	s15 =	sand.u32 @!p1 $0x2000, s16;
	s16 =	sadd.s32 @!p1 s6, s17;
	s14 =	sshll.u32 @!p1 s14, $0x4  }
0x25: {  	s17 =	simm.s32 @!p1 $0x6400;
	s14 =	sadd.s32 @!p1 s14, s16;
	s16 =	simm.s32 @!p1 $0x40  }
0x26: {  	[tilespmem:s15], [sflag:$0x1] =	stream.strided.gather @!p1 [hbm4b:s14+s16], $0x2000, s17, s16, $0x38;
	[tilespmem:$0x8080] =	vst v63  }
0x27: {  	p1 =	sge.u32 s31, s5  }
.Ltmp2:
0x28: {  	_ = 	snop;
	(pc) =	sbr.rel @p1 .LBB1_5-.Ltmp2, $1  }
0x29: {  	_ =	sdelay $0x3  }
0x2a: {  	s14 =	simm.s32 $0x1  }
0x2b: {  	_ =	swait.ge [sflag:s4], $0x2000;
	s14 =	simm.s32 @!p0 $0x0  }
0x2c: {  	[sflag:s4] =	ssyncset.done $0x0;
	s15 =	sshll.u32 s14, $0xD  }
0x2d: {  	[sflag:s4] =	ssyncadd.s32 $0xFFFFE000;
	s18 =	sor.u32 $0x20, s15  }
0x2e: {  	s14 =	smul.u32 $0x8100, s14;
	v3 =	vld [tilespmem:s18+$0x10]  }
0x2f: {  	s30 =	sand.u32 $0x1, s11;
	v2 =	vld [tilespmem:s18+$0xFFFFFFF0]  }
0x30: {  	s15 =	smul.u32 $0x8100, s30;
	s14 =	sshrl.u32 s14, $0x2;
	v0 =	vld [tilespmem:s18+$0x0]  }
0x31: {  	v1 =	vld [tilespmem:s18+$0xFFFFFFE0];
	s16 =	sor.u32 $0x4000, s14  }
0x32: {  	s31 =	sshrl.u32 s15, $0x2;
	s15 =	sadd.s32 $0x0, s16  }
0x33: {  	s17 =	simm.s32 $0x4;
	s18 =	sadd.s32 $0x40, s18;
	s14 =	sor.u32 $0x4000, s31;
	[tilespmem:s15+$0x1830 ss:$0x81] =	vst.msk $0xffff, v3  }
.LBB1_3:
0x34: {  	v3 =	vld [tilespmem:s18+$0x10];
	p1 =	sne.s32 s17, $0x1FC;
	[tilespmem:s15+$0x810 ss:$0x81] =	vst.msk $0xffff, v2;
	s19 =	smov.u32 s17;
	s17 =	sadd.s32 $0x4, s17  }
.Ltmp3:
0x35: {  	v2 =	vld [tilespmem:s18+$0xFFFFFFF0];
	[tilespmem:s15+$0x1020 ss:$0x81] =	vst.msk $0xffff, v0;
	(pc) =	sbr.rel @p1 .LBB1_3-.Ltmp3, $4  }
0x36: {  	v0 =	vld [tilespmem:s18+$0x0];
	[tilespmem:s15+$0x0 ss:$0x81] =	vst.msk $0xffff, v1  }
0x37: {  	s15 =	sshra.s32 s19, $0x2;
	v1 =	vld [tilespmem:s18+$0xFFFFFFE0]  }
0x38: {  	s15 =	sadd.s32 s15, s16  }
0x39: {  	s18 =	sadd.s32 $0x40, s18;
	[tilespmem:s15+$0x1830 ss:$0x81] =	vst.msk $0xffff, v3  }
.Ltmp4:
0x3a: {  	_ = 	snop;
	(pc) =	sbr.rel .LBB1_4-.Ltmp4, $1  }
0x3b: {  	_ =	sdelay $0x3  }
.LBB1_6:
0x3c: {  	_ =	sfence.sel $0x180000  }
0x3d: {  	s2 =	simm.s32 $0x1;
	[bflag:$0x0] =	sbarrier.arrive $0xFFFF  }
0x3e: {  	s31 =	simm.s32 $0x2;
	[sflag:s2] =	ssyncpa.u1 $0x1  }
0x3f: {  	[sflag:s31] =	ssyncpa.u1 $0x1  }
0x40: {  	p0 =	sne.s32 s0, $0x0;
	_ =	strace $0x9000004A  }
0x41: {  	s0 =	sadd.s32 @!p0 $0x100000, s1;
	[bflag:$0x2] =	sbarrier.arrive $0xFFFF  }
0x42: {  	[sflag:s0] =	ssyncadd.tile.s32 @!p0 $0x1;
	_ =	shalt  }
.Lfunc_end1:
_tile_overlayer_lowered:
.L_overlay_start_2:
0x43: {  	(tag) =	ssettag $0x2  }
0x44: {  	s0 =	rddreg [dreg:$0x0];
	s2 =	stileid.u32  }
0x45: {  	s1 =	rddreg [dreg:$0x1];
	p0 =	sne.s32 s2, $0x0  }
0x46: {  	s3 =	rddreg [dreg:$0x2];
	[bflag:$0x3] =	sbarrier.arrive $0xFFFF;
	s2 =	simm.s32 @!p0 $0x1C01  }
0x47: {  	[timem:s3], [sflag:s2] =	dma.local @!p0 [hbm:s0], s1  }
0x48: {  	s0 =	simm.s32 @!p0 $0x1  }
0x49: {  	_ =	swait.ge @!p0 [sflag:s0], s1  }
0x4a: {  	s1 =	ssub.s32 @!p0 $0x0, s1;
	[sflag:s0] =	ssyncset.done @!p0 $0x0  }
0x4b: {  	[sflag:s0] =	ssyncadd.s32 @!p0 s1  }
0x4c: {  	[bflag:$0x3] =	sbarrier.arrive $0xFFFF  }
0x4d: {  	_ =	shalt  }

</sc_bundles>
